<compile_context>
chip_gen: v7x
topology: tpu7x:2x2x1
jax: 0.10.2.dev20260603
libtpu: 0.0.44.dev20260713+nightly
codegen_flags: <defaults>
</compile_context>

<pallas_src>
import jax
import jax.numpy as jnp
from jax import lax
from jax.experimental import pallas as pl
from jax.experimental.pallas import tpu as pltpu
from jax.experimental.pallas import tpu_sc as plsc

N = 10000
E = 320000
NFEAT = 128
HIDDEN = 256
NCLASS = 16
K = 10

NT = 16
NP = 632
N_PAD = NT * NP
CW = 128
CH = 160
EP = CH * CW
E_PAD = NT * EP
NPAD = N_PAD + 8
TROWS = 16
NB = 8
LEAD = 4


def _mlp_body(x_ref, w1_ref, b1_ref, w2_ref, b2_ref, o_ref):
    h = jnp.maximum(
        jnp.dot(x_ref[...], w1_ref[...], preferred_element_type=jnp.float32)
        + b1_ref[...],
        0.0,
    )
    o_ref[...] = (
        jnp.dot(h, w2_ref[...], preferred_element_type=jnp.float32) + b2_ref[...]
    )


def _mlp(x, W1, b1, W2, b2):
    bn = N // 10
    return pl.pallas_call(
        _mlp_body,
        grid=(10,),
        in_specs=[
            pl.BlockSpec((bn, NFEAT), lambda i: (i, 0)),
            pl.BlockSpec((NFEAT, HIDDEN), lambda i: (0, 0)),
            pl.BlockSpec((1, HIDDEN), lambda i: (0, 0)),
            pl.BlockSpec((HIDDEN, NCLASS), lambda i: (0, 0)),
            pl.BlockSpec((1, NCLASS), lambda i: (0, 0)),
        ],
        out_specs=pl.BlockSpec((bn, NCLASS), lambda i: (i, 0)),
        out_shape=jax.ShapeDtypeStruct((N, NCLASS), jnp.float32),
    )(x, W1, b1.reshape(1, HIDDEN), W2, b2.reshape(1, NCLASS))


def _lsm_body(x_ref, o_ref):
    x = x_ref[...]
    m = jnp.max(x, axis=1, keepdims=True)
    e = jnp.exp(x - m)
    s = jnp.sum(e, axis=1, keepdims=True)
    o_ref[...] = x - m - jnp.log(s)


def _log_softmax(h):
    bn = N // 10
    return pl.pallas_call(
        _lsm_body,
        grid=(10,),
        in_specs=[pl.BlockSpec((bn, NCLASS), lambda i: (i, 0))],
        out_specs=pl.BlockSpec((bn, NCLASS), lambda i: (i, 0)),
        out_shape=jax.ShapeDtypeStruct((N, NCLASS), jnp.float32),
    )(h)


def _rsqrt16(x):
    y = jnp.full((16,), 2.0 ** -9.5, jnp.float32)
    for p in range(9, -1, -1):
        y = jnp.where(x < float(4.0 ** p), jnp.float32(2.0 ** (0.5 - p)), y)
    for _ in range(6):
        y = y * (1.5 - 0.5 * x * y * y)
    return y


def _prop_body(h0_hbm, row_hbm, col_hbm, temp_hbm, out_hbm,
               g_sp, s_sp, row_l, col_l, buf, ones_l, s_l, g_l, hid_l, dis_l,
               temp_l, zero_l, gsem, ssem):
    t = lax.axis_index("s")
    base = t * NP

    pltpu.sync_copy(row_hbm.at[t], row_l)
    pltpu.sync_copy(col_hbm.at[t], col_l)
    pltpu.sync_copy(temp_hbm, temp_l)

    def _zrow(i, _):
        zero_l[i, :] = jnp.zeros((16,), jnp.float32)
        return 0

    lax.fori_loop(0, NP + 8, _zrow, 0)

    def _onesrow(i, _):
        ones_l[i, :] = jnp.ones((16,), jnp.float32)
        return 0

    lax.fori_loop(0, CW, _onesrow, 0)

    pltpu.sync_copy(zero_l.at[pl.ds(0, NP)], s_sp.at[pl.ds(base, NP)])

    @pl.when(t == NT - 1)
    def _():
        pltpu.sync_copy(zero_l.at[pl.ds(0, 8)], s_sp.at[pl.ds(N_PAD, 8)])
        pltpu.sync_copy(zero_l.at[pl.ds(0, 8)], g_sp.at[pl.ds(N_PAD, 8)])

    plsc.subcore_barrier()

    def _deg_chunk(j, _):
        b = lax.rem(j, 2)

        @pl.when(j >= 2)
        def _w():
            pltpu.make_async_copy(ones_l, s_sp.at[col_l.at[0]], ssem.at[b]).wait()

        pltpu.async_copy(ones_l, s_sp.at[col_l.at[j]], ssem.at[b], add=True)
        return 0

    lax.fori_loop(0, CH, _deg_chunk, 0)
    for b in range(2):
        pltpu.make_async_copy(ones_l, s_sp.at[col_l.at[0]], ssem.at[b]).wait()
    plsc.subcore_barrier()

    pltpu.sync_copy(s_sp.at[pl.ds(base, NP)], s_l)
    pltpu.sync_copy(h0_hbm.at[pl.ds(base, NP)], g_l)
    t0 = temp_l[0, :]

    def _init_row(i, _):
        deg = s_l[i, :] + 1.0
        dis = _rsqrt16(deg)
        dis_l[i, :] = dis
        h0r = g_l[i, :]
        hid_l[i, :] = t0 * h0r
        g_l[i, :] = dis * h0r
        return 0

    lax.fori_loop(0, NP, _init_row, 0)
    pltpu.sync_copy(g_l, g_sp.at[pl.ds(base, NP)])
    pltpu.sync_copy(zero_l.at[pl.ds(0, NP)], s_sp.at[pl.ds(base, NP)])
    plsc.subcore_barrier()

    def _wait_g(b):
        pltpu.make_async_copy(
            g_sp.at[row_l.at[0]], buf.at[b], gsem.at[b]
        ).wait()

    def _wait_s(b):
        pltpu.make_async_copy(
            buf.at[b], s_sp.at[col_l.at[0]], ssem.at[b]
        ).wait()

    def _edge_phase():
        def _pipe(j, _p):
            @pl.when(j < CH)
            def _g():
                b = lax.rem(j, NB)

                @pl.when(j >= NB)
                def _w():
                    _wait_s(b)

                pltpu.async_copy(g_sp.at[row_l.at[j]], buf.at[b], gsem.at[b])

            js = j - LEAD

            @pl.when(js >= 0)
            def _s():
                bs = lax.rem(js, NB)
                _wait_g(bs)
                pltpu.async_copy(
                    buf.at[bs], s_sp.at[col_l.at[js]], ssem.at[bs], add=True
                )

            return 0

        lax.fori_loop(0, CH + LEAD, _pipe, 0)
        for b in range(NB):
            _wait_s(b)

    def _step(k, _):
        _edge_phase()
        plsc.subcore_barrier()

        pltpu.sync_copy(s_sp.at[pl.ds(base, NP)], s_l)
        tk = temp_l[k, :]

        def _row(i, _r):
            s = s_l[i, :] + g_l[i, :]
            d = dis_l[i, :]
            h = d * s
            hid_l[i, :] = hid_l[i, :] + tk * h
            g_l[i, :] = d * h
            return 0

        lax.fori_loop(0, NP, _row, 0)
        pltpu.sync_copy(g_l, g_sp.at[pl.ds(base, NP)])
        pltpu.sync_copy(zero_l.at[pl.ds(0, NP)], s_sp.at[pl.ds(base, NP)])
        plsc.subcore_barrier()
        return 0

    lax.fori_loop(1, K + 1, _step, 0)

    pltpu.sync_copy(hid_l, out_hbm.at[pl.ds(base, NP)])


def _propagate(h0, row_t, col_t, temp_b):
    mesh = plsc.VectorSubcoreMesh(
        core_axis_name="c", subcore_axis_name="s", num_cores=1
    )
    f = pl.kernel(
        _prop_body,
        out_type=jax.ShapeDtypeStruct((N_PAD, NCLASS), jnp.float32),
        mesh=mesh,
        compiler_params=pltpu.CompilerParams(use_tc_tiling_on_sc=False),
        scratch_types=[
            pltpu.VMEM_SHARED((NPAD, NCLASS), jnp.float32),
            pltpu.VMEM_SHARED((NPAD, NCLASS), jnp.float32),
            pltpu.VMEM((CH, CW), jnp.int32),
            pltpu.VMEM((CH, CW), jnp.int32),
            pltpu.VMEM((NB, CW, NCLASS), jnp.float32),
            pltpu.VMEM((CW, NCLASS), jnp.float32),
            pltpu.VMEM((NP, NCLASS), jnp.float32),
            pltpu.VMEM((NP, NCLASS), jnp.float32),
            pltpu.VMEM((NP, NCLASS), jnp.float32),
            pltpu.VMEM((NP, NCLASS), jnp.float32),
            pltpu.VMEM((TROWS, NCLASS), jnp.float32),
            pltpu.VMEM((NP + 8, NCLASS), jnp.float32),
            pltpu.SemaphoreType.DMA((NB,)),
            pltpu.SemaphoreType.DMA((NB,)),
        ],
    )
    return f(h0, row_t, col_t, temp_b)


@jax.jit
def kernel(x, edge_index, W1, b1, W2, b2, temp):
    h0 = _mlp(x, W1, b1, W2, b2)
    h0p = jnp.pad(h0, ((0, N_PAD - N), (0, 0)))

    pad = jnp.full((E_PAD - E,), N_PAD, dtype=jnp.int32)
    row_t = jnp.concatenate([edge_index[0].astype(jnp.int32), pad]).reshape(
        NT, CH, CW
    )
    col_t = jnp.concatenate([edge_index[1].astype(jnp.int32), pad]).reshape(
        NT, CH, CW
    )
    temp_b = jnp.broadcast_to(
        jnp.pad(temp.astype(jnp.float32), (0, TROWS - (K + 1))).reshape(TROWS, 1),
        (TROWS, NCLASS),
    )

    hid = _propagate(h0p, row_t, col_t, temp_b)
    return _log_softmax(hid[:N])

# --- scband reference (transcript-rebuilt; emitter-appended) ---
"""Pipeline reference for scband-gprgnn-21801253994544 (READ-ONLY COPY).

The authoritative reference and input builder live on the scoring server;
editing this copy changes nothing except your own understanding.
"""

import jax, jax.numpy as jnp
import numpy as np

N = 10000
E = 320000
NFEAT = 128
HIDDEN = 256
NCLASS = 16
K = 10
ALPHA = 0.1


def setup_inputs(seed: int = 0) -> dict:
    key = jax.random.key(seed)
    k1, k2, k3, k4 = jax.random.split(key, 4)
    x = jax.random.normal(k1, (N, NFEAT), dtype=jnp.float32)
    edge_index = jax.random.randint(k2, (2, E), 0, N)
    W1 = jax.random.normal(k3, (NFEAT, HIDDEN), dtype=jnp.float32) / np.sqrt(NFEAT)
    b1 = jnp.zeros((HIDDEN,), dtype=jnp.float32)
    W2 = jax.random.normal(k4, (HIDDEN, NCLASS), dtype=jnp.float32) / np.sqrt(HIDDEN)
    b2 = jnp.zeros((NCLASS,), dtype=jnp.float32)
    t = ALPHA * (1.0 - ALPHA) ** np.arange(K + 1)
    t[-1] = (1.0 - ALPHA) ** K
    temp = jnp.asarray(t, dtype=jnp.float32)
    return {"x": x, "edge_index": edge_index, "W1": W1, "b1": b1, "W2": W2, "b2": b2, "temp": temp}


def reference(x, edge_index, W1, b1, W2, b2, temp):
    # MLP part (dropout is identity in eval mode)
    h = jax.nn.relu(x @ W1 + b1)
    h = h @ W2 + b2
    # gcn_norm with self-loops (fill_value=1), symmetric normalization
    row = edge_index[0]
    col = edge_index[1]
    loop = jnp.arange(N, dtype=row.dtype)
    row = jnp.concatenate([row, loop])
    col = jnp.concatenate([col, loop])
    w = jnp.ones((E + N,), dtype=h.dtype)
    deg = jax.ops.segment_sum(w, col, num_segments=N)
    deg_inv_sqrt = jnp.where(deg > 0, deg ** -0.5, 0.0)
    norm = deg_inv_sqrt[row] * w * deg_inv_sqrt[col]
    # GPR propagation: hidden = sum_k temp[k] * A_hat^k h
    hidden = h * temp[0]
    for k in range(K):
        msg = norm[:, None] * h[row]
        h = jax.ops.segment_sum(msg, col, num_segments=N)
        hidden = hidden + temp[k + 1] * h
    return jax.nn.log_softmax(hidden, axis=1)

if __name__ == "__main__":
    import jax
    _d = setup_inputs()
    print(jax.jit(kernel)(*tuple(_d.values())))

</pallas_src>

<mosaic_0001>
#map = affine_map<(d0, d1) -> (0, 0)>
#map1 = affine_map<(d0, d1) -> (0, 0, 0)>
module attributes {stable_mosaic.version = 14 : i64} {
  func.func @_prop_body(%arg0: i32, %arg1: i32, %arg2: memref<10112x16xf32, #tpu.memory_space<hbm>>, %arg3: memref<16x160x128xi32, #tpu.memory_space<hbm>>, %arg4: memref<16x160x128xi32, #tpu.memory_space<hbm>>, %arg5: memref<16x16xf32, #tpu.memory_space<hbm>>, %arg6: memref<10112x16xf32, #tpu.memory_space<hbm>>, %arg7: memref<10120x16xf32, #tpu.memory_space<vmem_shared>>, %arg8: memref<10120x16xf32, #tpu.memory_space<vmem_shared>>, %arg9: memref<160x128xi32, #tpu.memory_space<vmem>>, %arg10: memref<160x128xi32, #tpu.memory_space<vmem>>, %arg11: memref<8x128x16xf32, #tpu.memory_space<vmem>>, %arg12: memref<128x16xf32, #tpu.memory_space<vmem>>, %arg13: memref<632x16xf32, #tpu.memory_space<vmem>>, %arg14: memref<632x16xf32, #tpu.memory_space<vmem>>, %arg15: memref<632x16xf32, #tpu.memory_space<vmem>>, %arg16: memref<632x16xf32, #tpu.memory_space<vmem>>, %arg17: memref<16x16xf32, #tpu.memory_space<vmem>>, %arg18: memref<640x16xf32, #tpu.memory_space<vmem>>, %arg19: memref<8x!tpu.dma_semaphore, #tpu.memory_space<semaphore_mem>>, %arg20: memref<8x!tpu.dma_semaphore, #tpu.memory_space<semaphore_mem>>) attributes {dimension_semantics = [#tpu.dimension_semantics<core_parallel>, #tpu.dimension_semantics<subcore_parallel>], iteration_bounds = array<i64: 1, 16>, scalar_prefetch = 0 : i64, scratch_operands = 14 : i64, tpu.core_type = #tpu.core_type<sc_vector_subcore>, window_params = [{transform_indices = #map}, {transform_indices = #map1}, {transform_indices = #map1}, {transform_indices = #map}, {transform_indices = #map}]} {
    %mul3A = arith.constant 632 : i32
    %mul3A_0 = arith.muli %arg1, %mul3A : i32
    "tpu.region"() ({
      %run_scoped3A = tpu.sem_alloc : memref<!tpu.dma_semaphore, #tpu.memory_space<semaphore_mem>>
      %dma_start3A = arith.constant 0 : i32
      %dma_start3A_62 = arith.constant 0 : i32
      %dma_start3A_63 = tpu.memref_slice %arg3[%arg1, %dma_start3A, %dma_start3A_62] : memref<16x160x128xi32, #tpu.memory_space<hbm>> -> memref<1x160x128xi32, #tpu.memory_space<hbm>>
      %dma_start3A_64 = tpu.memref_squeeze %dma_start3A_63 : memref<1x160x128xi32, #tpu.memory_space<hbm>> -> memref<160x128xi32, #tpu.memory_space<hbm>>
      %dma_start3A_65 = arith.constant 0 : i32
      %dma_start3A_66 = arith.constant 0 : i32
      %dma_start3A_67 = tpu.memref_slice %arg3[%arg1, %dma_start3A_65, %dma_start3A_66] : memref<16x160x128xi32, #tpu.memory_space<hbm>> -> memref<1x160x128xi32, #tpu.memory_space<hbm>>
      %dma_start3A_68 = tpu.memref_squeeze %dma_start3A_67 : memref<1x160x128xi32, #tpu.memory_space<hbm>> -> memref<160x128xi32, #tpu.memory_space<hbm>>
      tpu.enqueue_dma source(%dma_start3A_68 : memref<160x128xi32, #tpu.memory_space<hbm>>) target(%arg9 : memref<160x128xi32, #tpu.memory_space<vmem>>) target_semaphore(%run_scoped3A : memref<!tpu.dma_semaphore, #tpu.memory_space<semaphore_mem>>)
      %dma_wait3A_69 = arith.constant 0 : i32
      %dma_wait3A_70 = arith.constant 0 : i32
      %dma_wait3A_71 = tpu.memref_slice %arg3[%arg1, %dma_wait3A_69, %dma_wait3A_70] : memref<16x160x128xi32, #tpu.memory_space<hbm>> -> memref<1x160x128xi32, #tpu.memory_space<hbm>>
      %dma_wait3A_72 = tpu.memref_squeeze %dma_wait3A_71 : memref<1x160x128xi32, #tpu.memory_space<hbm>> -> memref<160x128xi32, #tpu.memory_space<hbm>>
      %dma_wait3A_73 = arith.constant 0 : i32
      %dma_wait3A_74 = arith.constant 0 : i32
      %dma_wait3A_75 = tpu.memref_slice %arg3[%arg1, %dma_wait3A_73, %dma_wait3A_74] : memref<16x160x128xi32, #tpu.memory_space<hbm>> -> memref<1x160x128xi32, #tpu.memory_space<hbm>>
      %dma_wait3A_76 = tpu.memref_squeeze %dma_wait3A_75 : memref<1x160x128xi32, #tpu.memory_space<hbm>> -> memref<160x128xi32, #tpu.memory_space<hbm>>
      tpu.wait_dma2 semaphore(%run_scoped3A : memref<!tpu.dma_semaphore, #tpu.memory_space<semaphore_mem>>) src(%dma_wait3A_76 : memref<160x128xi32, #tpu.memory_space<hbm>>) dst(%arg9 : memref<160x128xi32, #tpu.memory_space<vmem>>)
      tpu.yield
    }) : () -> ()
    "tpu.region"() ({
      %run_scoped3A = tpu.sem_alloc : memref<!tpu.dma_semaphore, #tpu.memory_space<semaphore_mem>>
      %dma_start3A = arith.constant 0 : i32
      %dma_start3A_62 = arith.constant 0 : i32
      %dma_start3A_63 = tpu.memref_slice %arg4[%arg1, %dma_start3A, %dma_start3A_62] : memref<16x160x128xi32, #tpu.memory_space<hbm>> -> memref<1x160x128xi32, #tpu.memory_space<hbm>>
      %dma_start3A_64 = tpu.memref_squeeze %dma_start3A_63 : memref<1x160x128xi32, #tpu.memory_space<hbm>> -> memref<160x128xi32, #tpu.memory_space<hbm>>
      %dma_start3A_65 = arith.constant 0 : i32
      %dma_start3A_66 = arith.constant 0 : i32
      %dma_start3A_67 = tpu.memref_slice %arg4[%arg1, %dma_start3A_65, %dma_start3A_66] : memref<16x160x128xi32, #tpu.memory_space<hbm>> -> memref<1x160x128xi32, #tpu.memory_space<hbm>>
      %dma_start3A_68 = tpu.memref_squeeze %dma_start3A_67 : memref<1x160x128xi32, #tpu.memory_space<hbm>> -> memref<160x128xi32, #tpu.memory_space<hbm>>
      tpu.enqueue_dma source(%dma_start3A_68 : memref<160x128xi32, #tpu.memory_space<hbm>>) target(%arg10 : memref<160x128xi32, #tpu.memory_space<vmem>>) target_semaphore(%run_scoped3A : memref<!tpu.dma_semaphore, #tpu.memory_space<semaphore_mem>>)
      %dma_wait3A_69 = arith.constant 0 : i32
      %dma_wait3A_70 = arith.constant 0 : i32
      %dma_wait3A_71 = tpu.memref_slice %arg4[%arg1, %dma_wait3A_69, %dma_wait3A_70] : memref<16x160x128xi32, #tpu.memory_space<hbm>> -> memref<1x160x128xi32, #tpu.memory_space<hbm>>
      %dma_wait3A_72 = tpu.memref_squeeze %dma_wait3A_71 : memref<1x160x128xi32, #tpu.memory_space<hbm>> -> memref<160x128xi32, #tpu.memory_space<hbm>>
      %dma_wait3A_73 = arith.constant 0 : i32
      %dma_wait3A_74 = arith.constant 0 : i32
      %dma_wait3A_75 = tpu.memref_slice %arg4[%arg1, %dma_wait3A_73, %dma_wait3A_74] : memref<16x160x128xi32, #tpu.memory_space<hbm>> -> memref<1x160x128xi32, #tpu.memory_space<hbm>>
      %dma_wait3A_76 = tpu.memref_squeeze %dma_wait3A_75 : memref<1x160x128xi32, #tpu.memory_space<hbm>> -> memref<160x128xi32, #tpu.memory_space<hbm>>
      tpu.wait_dma2 semaphore(%run_scoped3A : memref<!tpu.dma_semaphore, #tpu.memory_space<semaphore_mem>>) src(%dma_wait3A_76 : memref<160x128xi32, #tpu.memory_space<hbm>>) dst(%arg10 : memref<160x128xi32, #tpu.memory_space<vmem>>)
      tpu.yield
    }) : () -> ()
    "tpu.region"() ({
      %run_scoped3A = tpu.sem_alloc : memref<!tpu.dma_semaphore, #tpu.memory_space<semaphore_mem>>
      tpu.enqueue_dma source(%arg5 : memref<16x16xf32, #tpu.memory_space<hbm>>) target(%arg17 : memref<16x16xf32, #tpu.memory_space<vmem>>) target_semaphore(%run_scoped3A : memref<!tpu.dma_semaphore, #tpu.memory_space<semaphore_mem>>)
      tpu.wait_dma2 semaphore(%run_scoped3A : memref<!tpu.dma_semaphore, #tpu.memory_space<semaphore_mem>>) src(%arg5 : memref<16x16xf32, #tpu.memory_space<hbm>>) dst(%arg17 : memref<16x16xf32, #tpu.memory_space<vmem>>)
      tpu.yield
    }) : () -> ()
    %scan3A = arith.constant 0 : i32
    %scan3A_1 = arith.constant 0 : i32
    %scan3A_2 = arith.constant 640 : i32
    %scan3A_3 = arith.addi %scan3A_1, %scan3A_2 : i32
    %scan3A_4 = arith.constant 1 : i32
    %scan3A_5 = scf.for %scan3A_62 = %scan3A_1 to %scan3A_3 step %scan3A_4 iter_args(%scan3A_63 = %scan3A) -> (i32)  : i32 {
      %broadcast_in_dim3A = arith.constant 0.000000e+00 : f32
      %broadcast_in_dim3A_64 = vector.broadcast %broadcast_in_dim3A : f32 to vector<16xf32>
      %swap3A = arith.index_cast %scan3A_62 : i32 to index
      %swap3A_65 = arith.constant 0 : index
      %swap3A_66 = tpu.vector_load %arg18[%swap3A, %swap3A_65] {strides = array<i32>} : memref<640x16xf32, #tpu.memory_space<vmem>>, vector<1x16xf32>,
      %swap3A_67 = vector.shape_cast %swap3A_66 : vector<1x16xf32> to vector<16xf32>
      %swap3A_68 = vector.shape_cast %broadcast_in_dim3A_64 : vector<16xf32> to vector<1x16xf32>
      tpu.vector_store %arg18[%swap3A, %swap3A_65], %swap3A_68 {strides = array<i32>} : memref<640x16xf32, #tpu.memory_space<vmem>>, vector<1x16xf32>,
      %scan3A_69 = arith.constant 0 : i32
      scf.yield %scan3A_69 : i32
    }
    %scan3A_6 = arith.constant 640 : i32
    %scan3A_7 = arith.constant 0 : i32
    %scan3A_8 = arith.constant 0 : i32
    %scan3A_9 = arith.constant 128 : i32
    %scan3A_10 = arith.addi %scan3A_8, %scan3A_9 : i32
    %scan3A_11 = arith.constant 1 : i32
    %scan3A_12 = scf.for %scan3A_62 = %scan3A_8 to %scan3A_10 step %scan3A_11 iter_args(%scan3A_63 = %scan3A_7) -> (i32)  : i32 {
      %broadcast_in_dim3A = arith.constant 1.000000e+00 : f32
      %broadcast_in_dim3A_64 = vector.broadcast %broadcast_in_dim3A : f32 to vector<16xf32>
      %swap3A = arith.index_cast %scan3A_62 : i32 to index
      %swap3A_65 = arith.constant 0 : index
      %swap3A_66 = tpu.vector_load %arg12[%swap3A, %swap3A_65] {strides = array<i32>} : memref<128x16xf32, #tpu.memory_space<vmem>>, vector<1x16xf32>,
      %swap3A_67 = vector.shape_cast %swap3A_66 : vector<1x16xf32> to vector<16xf32>
      %swap3A_68 = vector.shape_cast %broadcast_in_dim3A_64 : vector<16xf32> to vector<1x16xf32>
      tpu.vector_store %arg12[%swap3A, %swap3A_65], %swap3A_68 {strides = array<i32>} : memref<128x16xf32, #tpu.memory_space<vmem>>, vector<1x16xf32>,
      %scan3A_69 = arith.constant 0 : i32
      scf.yield %scan3A_69 : i32
    }
    %scan3A_13 = arith.constant 128 : i32
    "tpu.region"() ({
      %run_scoped3A = tpu.sem_alloc : memref<!tpu.dma_semaphore, #tpu.memory_space<semaphore_mem>>
      %dma_start3A = arith.constant 0 : i32
      %dma_start3A_62 = arith.constant 0 : i32
      %dma_start3A_63 = tpu.memref_slice %arg18[%dma_start3A, %dma_start3A_62] : memref<640x16xf32, #tpu.memory_space<vmem>> -> memref<632x16xf32, #tpu.memory_space<vmem>>
      %dma_start3A_64 = arith.constant 0 : i32
      %dma_start3A_65 = tpu.memref_slice %arg8[%mul3A_0, %dma_start3A_64] : memref<10120x16xf32, #tpu.memory_space<vmem_shared>> -> memref<632x16xf32, #tpu.memory_space<vmem_shared>>
      %dma_start3A_66 = arith.constant 0 : i32
      %dma_start3A_67 = tpu.memref_slice %arg8[%mul3A_0, %dma_start3A_66] : memref<10120x16xf32, #tpu.memory_space<vmem_shared>> -> memref<632x16xf32, #tpu.memory_space<vmem_shared>>
      %dma_start3A_68 = arith.constant 0 : i32
      %dma_start3A_69 = arith.constant 0 : i32
      %dma_start3A_70 = tpu.memref_slice %arg18[%dma_start3A_68, %dma_start3A_69] : memref<640x16xf32, #tpu.memory_space<vmem>> -> memref<632x16xf32, #tpu.memory_space<vmem>>
      tpu.enqueue_dma source(%dma_start3A_70 : memref<632x16xf32, #tpu.memory_space<vmem>>) target(%dma_start3A_67 : memref<632x16xf32, #tpu.memory_space<vmem_shared>>) target_semaphore(%run_scoped3A : memref<!tpu.dma_semaphore, #tpu.memory_space<semaphore_mem>>)
      %dma_wait3A_71 = arith.constant 0 : i32
      %dma_wait3A_72 = arith.constant 0 : i32
      %dma_wait3A_73 = tpu.memref_slice %arg18[%dma_wait3A_71, %dma_wait3A_72] : memref<640x16xf32, #tpu.memory_space<vmem>> -> memref<632x16xf32, #tpu.memory_space<vmem>>
      %dma_wait3A_74 = arith.constant 0 : i32
      %dma_wait3A_75 = tpu.memref_slice %arg8[%mul3A_0, %dma_wait3A_74] : memref<10120x16xf32, #tpu.memory_space<vmem_shared>> -> memref<632x16xf32, #tpu.memory_space<vmem_shared>>
      %dma_wait3A_76 = arith.constant 0 : i32
      %dma_wait3A_77 = tpu.memref_slice %arg8[%mul3A_0, %dma_wait3A_76] : memref<10120x16xf32, #tpu.memory_space<vmem_shared>> -> memref<632x16xf32, #tpu.memory_space<vmem_shared>>
      %dma_wait3A_78 = arith.constant 0 : i32
      %dma_wait3A_79 = arith.constant 0 : i32
      %dma_wait3A_80 = tpu.memref_slice %arg18[%dma_wait3A_78, %dma_wait3A_79] : memref<640x16xf32, #tpu.memory_space<vmem>> -> memref<632x16xf32, #tpu.memory_space<vmem>>
      tpu.wait_dma2 semaphore(%run_scoped3A : memref<!tpu.dma_semaphore, #tpu.memory_space<semaphore_mem>>) src(%dma_wait3A_80 : memref<632x16xf32, #tpu.memory_space<vmem>>) dst(%dma_wait3A_77 : memref<632x16xf32, #tpu.memory_space<vmem_shared>>)
      tpu.yield
    }) : () -> ()
    %eq3A = arith.constant 15 : i32
    %eq3A_14 = arith.cmpi eq, %arg1, %eq3A : i32
    %convert_element_type3A = arith.extui %eq3A_14 : i1 to i32
    %cond3A = arith.constant 0 : i32
    %cond3A_15 = arith.cmpi ne, %convert_element_type3A, %cond3A : i32
    scf.if %cond3A_15 {
      "tpu.region"() ({
        %run_scoped3A = tpu.sem_alloc : memref<!tpu.dma_semaphore, #tpu.memory_space<semaphore_mem>>
        %dma_start3A = arith.constant 0 : i32
        %dma_start3A_62 = arith.constant 0 : i32
        %dma_start3A_63 = tpu.memref_slice %arg18[%dma_start3A, %dma_start3A_62] : memref<640x16xf32, #tpu.memory_space<vmem>> -> memref<8x16xf32, #tpu.memory_space<vmem>>
        %dma_start3A_64 = arith.constant 10112 : i32
        %dma_start3A_65 = arith.constant 0 : i32
        %dma_start3A_66 = tpu.memref_slice %arg8[%dma_start3A_64, %dma_start3A_65] : memref<10120x16xf32, #tpu.memory_space<vmem_shared>> -> memref<8x16xf32, #tpu.memory_space<vmem_shared>>
        %dma_start3A_67 = arith.constant 10112 : i32
        %dma_start3A_68 = arith.constant 0 : i32
        %dma_start3A_69 = tpu.memref_slice %arg8[%dma_start3A_67, %dma_start3A_68] : memref<10120x16xf32, #tpu.memory_space<vmem_shared>> -> memref<8x16xf32, #tpu.memory_space<vmem_shared>>
        %dma_start3A_70 = arith.constant 0 : i32
        %dma_start3A_71 = arith.constant 0 : i32
        %dma_start3A_72 = tpu.memref_slice %arg18[%dma_start3A_70, %dma_start3A_71] : memref<640x16xf32, #tpu.memory_space<vmem>> -> memref<8x16xf32, #tpu.memory_space<vmem>>
        tpu.enqueue_dma source(%dma_start3A_72 : memref<8x16xf32, #tpu.memory_space<vmem>>) target(%dma_start3A_69 : memref<8x16xf32, #tpu.memory_space<vmem_shared>>) target_semaphore(%run_scoped3A : memref<!tpu.dma_semaphore, #tpu.memory_space<semaphore_mem>>)
        %dma_wait3A_73 = arith.constant 0 : i32
        %dma_wait3A_74 = arith.constant 0 : i32
        %dma_wait3A_75 = tpu.memref_slice %arg18[%dma_wait3A_73, %dma_wait3A_74] : memref<640x16xf32, #tpu.memory_space<vmem>> -> memref<8x16xf32, #tpu.memory_space<vmem>>
        %dma_wait3A_76 = arith.constant 10112 : i32
        %dma_wait3A_77 = arith.constant 0 : i32
        %dma_wait3A_78 = tpu.memref_slice %arg8[%dma_wait3A_76, %dma_wait3A_77] : memref<10120x16xf32, #tpu.memory_space<vmem_shared>> -> memref<8x16xf32, #tpu.memory_space<vmem_shared>>
        %dma_wait3A_79 = arith.constant 10112 : i32
        %dma_wait3A_80 = arith.constant 0 : i32
        %dma_wait3A_81 = tpu.memref_slice %arg8[%dma_wait3A_79, %dma_wait3A_80] : memref<10120x16xf32, #tpu.memory_space<vmem_shared>> -> memref<8x16xf32, #tpu.memory_space<vmem_shared>>
        %dma_wait3A_82 = arith.constant 0 : i32
        %dma_wait3A_83 = arith.constant 0 : i32
        %dma_wait3A_84 = tpu.memref_slice %arg18[%dma_wait3A_82, %dma_wait3A_83] : memref<640x16xf32, #tpu.memory_space<vmem>> -> memref<8x16xf32, #tpu.memory_space<vmem>>
        tpu.wait_dma2 semaphore(%run_scoped3A : memref<!tpu.dma_semaphore, #tpu.memory_space<semaphore_mem>>) src(%dma_wait3A_84 : memref<8x16xf32, #tpu.memory_space<vmem>>) dst(%dma_wait3A_81 : memref<8x16xf32, #tpu.memory_space<vmem_shared>>)
        tpu.yield
      }) : () -> ()
      "tpu.region"() ({
        %run_scoped3A = tpu.sem_alloc : memref<!tpu.dma_semaphore, #tpu.memory_space<semaphore_mem>>
        %dma_start3A = arith.constant 0 : i32
        %dma_start3A_62 = arith.constant 0 : i32
        %dma_start3A_63 = tpu.memref_slice %arg18[%dma_start3A, %dma_start3A_62] : memref<640x16xf32, #tpu.memory_space<vmem>> -> memref<8x16xf32, #tpu.memory_space<vmem>>
        %dma_start3A_64 = arith.constant 10112 : i32
        %dma_start3A_65 = arith.constant 0 : i32
        %dma_start3A_66 = tpu.memref_slice %arg7[%dma_start3A_64, %dma_start3A_65] : memref<10120x16xf32, #tpu.memory_space<vmem_shared>> -> memref<8x16xf32, #tpu.memory_space<vmem_shared>>
        %dma_start3A_67 = arith.constant 10112 : i32
        %dma_start3A_68 = arith.constant 0 : i32
        %dma_start3A_69 = tpu.memref_slice %arg7[%dma_start3A_67, %dma_start3A_68] : memref<10120x16xf32, #tpu.memory_space<vmem_shared>> -> memref<8x16xf32, #tpu.memory_space<vmem_shared>>
        %dma_start3A_70 = arith.constant 0 : i32
        %dma_start3A_71 = arith.constant 0 : i32
        %dma_start3A_72 = tpu.memref_slice %arg18[%dma_start3A_70, %dma_start3A_71] : memref<640x16xf32, #tpu.memory_space<vmem>> -> memref<8x16xf32, #tpu.memory_space<vmem>>
        tpu.enqueue_dma source(%dma_start3A_72 : memref<8x16xf32, #tpu.memory_space<vmem>>) target(%dma_start3A_69 : memref<8x16xf32, #tpu.memory_space<vmem_shared>>) target_semaphore(%run_scoped3A : memref<!tpu.dma_semaphore, #tpu.memory_space<semaphore_mem>>)
        %dma_wait3A_73 = arith.constant 0 : i32
        %dma_wait3A_74 = arith.constant 0 : i32
        %dma_wait3A_75 = tpu.memref_slice %arg18[%dma_wait3A_73, %dma_wait3A_74] : memref<640x16xf32, #tpu.memory_space<vmem>> -> memref<8x16xf32, #tpu.memory_space<vmem>>
        %dma_wait3A_76 = arith.constant 10112 : i32
        %dma_wait3A_77 = arith.constant 0 : i32
        %dma_wait3A_78 = tpu.memref_slice %arg7[%dma_wait3A_76, %dma_wait3A_77] : memref<10120x16xf32, #tpu.memory_space<vmem_shared>> -> memref<8x16xf32, #tpu.memory_space<vmem_shared>>
        %dma_wait3A_79 = arith.constant 10112 : i32
        %dma_wait3A_80 = arith.constant 0 : i32
        %dma_wait3A_81 = tpu.memref_slice %arg7[%dma_wait3A_79, %dma_wait3A_80] : memref<10120x16xf32, #tpu.memory_space<vmem_shared>> -> memref<8x16xf32, #tpu.memory_space<vmem_shared>>
        %dma_wait3A_82 = arith.constant 0 : i32
        %dma_wait3A_83 = arith.constant 0 : i32
        %dma_wait3A_84 = tpu.memref_slice %arg18[%dma_wait3A_82, %dma_wait3A_83] : memref<640x16xf32, #tpu.memory_space<vmem>> -> memref<8x16xf32, #tpu.memory_space<vmem>>
        tpu.wait_dma2 semaphore(%run_scoped3A : memref<!tpu.dma_semaphore, #tpu.memory_space<semaphore_mem>>) src(%dma_wait3A_84 : memref<8x16xf32, #tpu.memory_space<vmem>>) dst(%dma_wait3A_81 : memref<8x16xf32, #tpu.memory_space<vmem_shared>>)
        tpu.yield
      }) : () -> ()
    } else {
    }
    %barrier3A = arith.constant 0 : index
    tpu.barrier barrier_id(%barrier3A)
    %scan3A_16 = arith.constant 0 : i32
    %scan3A_17 = arith.constant 0 : i32
    %scan3A_18 = arith.constant 160 : i32
    %scan3A_19 = arith.addi %scan3A_17, %scan3A_18 : i32
    %scan3A_20 = arith.constant 1 : i32
    %scan3A_21 = scf.for %scan3A_62 = %scan3A_17 to %scan3A_19 step %scan3A_20 iter_args(%scan3A_63 = %scan3A_16) -> (i32)  : i32 {
      %rem3A = arith.constant 2 : i32
      %rem3A_64 = arith.remsi %scan3A_62, %rem3A : i32
      %ge3A = arith.constant 2 : i32
      %ge3A_65 = arith.cmpi sge, %scan3A_62, %ge3A : i32
      %convert_element_type3A_66 = arith.extui %ge3A_65 : i1 to i32
      %cond3A_67 = arith.constant 0 : i32
      %cond3A_68 = arith.cmpi ne, %convert_element_type3A_66, %cond3A_67 : i32
      scf.if %cond3A_68 {
        %dma_wait3A_77 = arith.constant 0 : i32
        %dma_wait3A_78 = arith.constant 0 : i32
        %dma_wait3A_79 = tpu.memref_slice %arg10[%dma_wait3A_77, %dma_wait3A_78] : memref<160x128xi32, #tpu.memory_space<vmem>> -> memref<1x128xi32, #tpu.memory_space<vmem>>
        %dma_wait3A_80 = tpu.memref_squeeze %dma_wait3A_79 : memref<1x128xi32, #tpu.memory_space<vmem>> -> memref<128xi32, #tpu.memory_space<vmem>>
        %dma_wait3A_81 = arith.constant 0 : i32
        %dma_wait3A_82 = arith.constant 0 : i32
        %dma_wait3A_83 = tpu.memref_slice %arg8[%dma_wait3A_81, %dma_wait3A_82] : memref<10120x16xf32, #tpu.memory_space<vmem_shared>> -> memref<10120x16xf32, #tpu.memory_space<vmem_shared>>
        %dma_wait3A_84 = tpu.memref_slice %arg20[%rem3A_64] : memref<8x!tpu.dma_semaphore, #tpu.memory_space<semaphore_mem>> -> memref<1x!tpu.dma_semaphore, #tpu.memory_space<semaphore_mem>>
        %dma_wait3A_85 = tpu.memref_squeeze %dma_wait3A_84 : memref<1x!tpu.dma_semaphore, #tpu.memory_space<semaphore_mem>> -> memref<!tpu.dma_semaphore, #tpu.memory_space<semaphore_mem>>
        tpu.wait_indirect_dma semaphore(%dma_wait3A_85 : memref<!tpu.dma_semaphore, #tpu.memory_space<semaphore_mem>>) src(%arg12 : memref<128x16xf32, #tpu.memory_space<vmem>>) dst(%dma_wait3A_83 : memref<10120x16xf32, #tpu.memory_space<vmem_shared>>)
      } else {
      }
      %dma_start3A = arith.constant 0 : i32
      %dma_start3A_69 = tpu.memref_slice %arg10[%scan3A_62, %dma_start3A] : memref<160x128xi32, #tpu.memory_space<vmem>> -> memref<1x128xi32, #tpu.memory_space<vmem>>
      %dma_start3A_70 = tpu.memref_squeeze %dma_start3A_69 : memref<1x128xi32, #tpu.memory_space<vmem>> -> memref<128xi32, #tpu.memory_space<vmem>>
      %dma_start3A_71 = arith.constant 0 : i32
      %dma_start3A_72 = arith.constant 0 : i32
      %dma_start3A_73 = tpu.memref_slice %arg8[%dma_start3A_71, %dma_start3A_72] : memref<10120x16xf32, #tpu.memory_space<vmem_shared>> -> memref<10120x16xf32, #tpu.memory_space<vmem_shared>>
      %dma_start3A_74 = tpu.memref_slice %arg20[%rem3A_64] : memref<8x!tpu.dma_semaphore, #tpu.memory_space<semaphore_mem>> -> memref<1x!tpu.dma_semaphore, #tpu.memory_space<semaphore_mem>>
      %dma_start3A_75 = tpu.memref_squeeze %dma_start3A_74 : memref<1x!tpu.dma_semaphore, #tpu.memory_space<semaphore_mem>> -> memref<!tpu.dma_semaphore, #tpu.memory_space<semaphore_mem>>
      tpu.enqueue_indirect_dma source(%arg12 : memref<128x16xf32, #tpu.memory_space<vmem>>) target(%dma_start3A_73 : memref<10120x16xf32, #tpu.memory_space<vmem_shared>>) offsets(%dma_start3A_70 : memref<128xi32, #tpu.memory_space<vmem>>) semaphore(%dma_start3A_75 : memref<!tpu.dma_semaphore, #tpu.memory_space<semaphore_mem>>) {add = true}
      %scan3A_76 = arith.constant 0 : i32
      scf.yield %scan3A_76 : i32
    }
    %scan3A_22 = arith.constant 160 : i32
    %dma_wait3A = arith.constant 0 : i32
    %dma_wait3A_23 = arith.constant 0 : i32
    %dma_wait3A_24 = arith.constant 0 : i32
    %dma_wait3A_25 = tpu.memref_slice %arg10[%dma_wait3A, %dma_wait3A_24] : memref<160x128xi32, #tpu.memory_space<vmem>> -> memref<1x128xi32, #tpu.memory_space<vmem>>
    %dma_wait3A_26 = tpu.memref_squeeze %dma_wait3A_25 : memref<1x128xi32, #tpu.memory_space<vmem>> -> memref<128xi32, #tpu.memory_space<vmem>>
    %dma_wait3A_27 = arith.constant 0 : i32
    %dma_wait3A_28 = arith.constant 0 : i32
    %dma_wait3A_29 = tpu.memref_slice %arg8[%dma_wait3A_27, %dma_wait3A_28] : memref<10120x16xf32, #tpu.memory_space<vmem_shared>> -> memref<10120x16xf32, #tpu.memory_space<vmem_shared>>
    %dma_wait3A_30 = tpu.memref_slice %arg20[%dma_wait3A_23] : memref<8x!tpu.dma_semaphore, #tpu.memory_space<semaphore_mem>> -> memref<1x!tpu.dma_semaphore, #tpu.memory_space<semaphore_mem>>
    %dma_wait3A_31 = tpu.memref_squeeze %dma_wait3A_30 : memref<1x!tpu.dma_semaphore, #tpu.memory_space<semaphore_mem>> -> memref<!tpu.dma_semaphore, #tpu.memory_space<semaphore_mem>>
    tpu.wait_indirect_dma semaphore(%dma_wait3A_31 : memref<!tpu.dma_semaphore, #tpu.memory_space<semaphore_mem>>) src(%arg12 : memref<128x16xf32, #tpu.memory_space<vmem>>) dst(%dma_wait3A_29 : memref<10120x16xf32, #tpu.memory_space<vmem_shared>>)
    %dma_wait3A_32 = arith.constant 0 : i32
    %dma_wait3A_33 = arith.constant 1 : i32
    %dma_wait3A_34 = arith.constant 0 : i32
    %dma_wait3A_35 = tpu.memref_slice %arg10[%dma_wait3A_32, %dma_wait3A_34] : memref<160x128xi32, #tpu.memory_space<vmem>> -> memref<1x128xi32, #tpu.memory_space<vmem>>
    %dma_wait3A_36 = tpu.memref_squeeze %dma_wait3A_35 : memref<1x128xi32, #tpu.memory_space<vmem>> -> memref<128xi32, #tpu.memory_space<vmem>>
    %dma_wait3A_37 = arith.constant 0 : i32
    %dma_wait3A_38 = arith.constant 0 : i32
    %dma_wait3A_39 = tpu.memref_slice %arg8[%dma_wait3A_37, %dma_wait3A_38] : memref<10120x16xf32, #tpu.memory_space<vmem_shared>> -> memref<10120x16xf32, #tpu.memory_space<vmem_shared>>
    %dma_wait3A_40 = tpu.memref_slice %arg20[%dma_wait3A_33] : memref<8x!tpu.dma_semaphore, #tpu.memory_space<semaphore_mem>> -> memref<1x!tpu.dma_semaphore, #tpu.memory_space<semaphore_mem>>
    %dma_wait3A_41 = tpu.memref_squeeze %dma_wait3A_40 : memref<1x!tpu.dma_semaphore, #tpu.memory_space<semaphore_mem>> -> memref<!tpu.dma_semaphore, #tpu.memory_space<semaphore_mem>>
    tpu.wait_indirect_dma semaphore(%dma_wait3A_41 : memref<!tpu.dma_semaphore, #tpu.memory_space<semaphore_mem>>) src(%arg12 : memref<128x16xf32, #tpu.memory_space<vmem>>) dst(%dma_wait3A_39 : memref<10120x16xf32, #tpu.memory_space<vmem_shared>>)
    %barrier3A_42 = arith.constant 0 : index
    tpu.barrier barrier_id(%barrier3A_42)
    "tpu.region"() ({
      %run_scoped3A = tpu.sem_alloc : memref<!tpu.dma_semaphore, #tpu.memory_space<semaphore_mem>>
      %dma_start3A = arith.constant 0 : i32
      %dma_start3A_62 = tpu.memref_slice %arg8[%mul3A_0, %dma_start3A] : memref<10120x16xf32, #tpu.memory_space<vmem_shared>> -> memref<632x16xf32, #tpu.memory_space<vmem_shared>>
      %dma_start3A_63 = arith.constant 0 : i32
      %dma_start3A_64 = tpu.memref_slice %arg8[%mul3A_0, %dma_start3A_63] : memref<10120x16xf32, #tpu.memory_space<vmem_shared>> -> memref<632x16xf32, #tpu.memory_space<vmem_shared>>
      tpu.enqueue_dma source(%dma_start3A_64 : memref<632x16xf32, #tpu.memory_space<vmem_shared>>) target(%arg13 : memref<632x16xf32, #tpu.memory_space<vmem>>) target_semaphore(%run_scoped3A : memref<!tpu.dma_semaphore, #tpu.memory_space<semaphore_mem>>)
      %dma_wait3A_65 = arith.constant 0 : i32
      %dma_wait3A_66 = tpu.memref_slice %arg8[%mul3A_0, %dma_wait3A_65] : memref<10120x16xf32, #tpu.memory_space<vmem_shared>> -> memref<632x16xf32, #tpu.memory_space<vmem_shared>>
      %dma_wait3A_67 = arith.constant 0 : i32
      %dma_wait3A_68 = tpu.memref_slice %arg8[%mul3A_0, %dma_wait3A_67] : memref<10120x16xf32, #tpu.memory_space<vmem_shared>> -> memref<632x16xf32, #tpu.memory_space<vmem_shared>>
      tpu.wait_dma2 semaphore(%run_scoped3A : memref<!tpu.dma_semaphore, #tpu.memory_space<semaphore_mem>>) src(%dma_wait3A_68 : memref<632x16xf32, #tpu.memory_space<vmem_shared>>) dst(%arg13 : memref<632x16xf32, #tpu.memory_space<vmem>>)
      tpu.yield
    }) : () -> ()
    "tpu.region"() ({
      %run_scoped3A = tpu.sem_alloc : memref<!tpu.dma_semaphore, #tpu.memory_space<semaphore_mem>>
      %dma_start3A = arith.constant 0 : i32
      %dma_start3A_62 = tpu.memref_slice %arg2[%mul3A_0, %dma_start3A] : memref<10112x16xf32, #tpu.memory_space<hbm>> -> memref<632x16xf32, #tpu.memory_space<hbm>>
      %dma_start3A_63 = arith.constant 0 : i32
      %dma_start3A_64 = tpu.memref_slice %arg2[%mul3A_0, %dma_start3A_63] : memref<10112x16xf32, #tpu.memory_space<hbm>> -> memref<632x16xf32, #tpu.memory_space<hbm>>
      tpu.enqueue_dma source(%dma_start3A_64 : memref<632x16xf32, #tpu.memory_space<hbm>>) target(%arg14 : memref<632x16xf32, #tpu.memory_space<vmem>>) target_semaphore(%run_scoped3A : memref<!tpu.dma_semaphore, #tpu.memory_space<semaphore_mem>>)
      %dma_wait3A_65 = arith.constant 0 : i32
      %dma_wait3A_66 = tpu.memref_slice %arg2[%mul3A_0, %dma_wait3A_65] : memref<10112x16xf32, #tpu.memory_space<hbm>> -> memref<632x16xf32, #tpu.memory_space<hbm>>
      %dma_wait3A_67 = arith.constant 0 : i32
      %dma_wait3A_68 = tpu.memref_slice %arg2[%mul3A_0, %dma_wait3A_67] : memref<10112x16xf32, #tpu.memory_space<hbm>> -> memref<632x16xf32, #tpu.memory_space<hbm>>
      tpu.wait_dma2 semaphore(%run_scoped3A : memref<!tpu.dma_semaphore, #tpu.memory_space<semaphore_mem>>) src(%dma_wait3A_68 : memref<632x16xf32, #tpu.memory_space<hbm>>) dst(%arg14 : memref<632x16xf32, #tpu.memory_space<vmem>>)
      tpu.yield
    }) : () -> ()
    %get3A = arith.constant 0 : i32
    %get3A_43 = arith.index_cast %get3A : i32 to index
    %get3A_44 = arith.constant 0 : index
    %get3A_45 = tpu.vector_load %arg17[%get3A_43, %get3A_44] {strides = array<i32>} : memref<16x16xf32, #tpu.memory_space<vmem>>, vector<1x16xf32>,
    %get3A_46 = vector.shape_cast %get3A_45 : vector<1x16xf32> to vector<16xf32>
    %scan3A_47 = arith.constant 0 : i32
    %scan3A_48 = arith.constant 0 : i32
    %scan3A_49 = arith.constant 632 : i32
    %scan3A_50 = arith.addi %scan3A_48, %scan3A_49 : i32
    %scan3A_51 = arith.constant 1 : i32
    %scan3A_52 = scf.for %scan3A_62 = %scan3A_48 to %scan3A_50 step %scan3A_51 iter_args(%scan3A_63 = %scan3A_47) -> (i32)  : i32 {
      %get3A_64 = arith.index_cast %scan3A_62 : i32 to index
      %get3A_65 = arith.constant 0 : index
      %get3A_66 = tpu.vector_load %arg13[%get3A_64, %get3A_65] {strides = array<i32>} : memref<632x16xf32, #tpu.memory_space<vmem>>, vector<1x16xf32>,
      %get3A_67 = vector.shape_cast %get3A_66 : vector<1x16xf32> to vector<16xf32>
      %add3A = arith.constant 1.000000e+00 : f32
      %add3A_68 = vector.broadcast %add3A : f32 to vector<16xf32>
      %add3A_69 = arith.addf %get3A_67, %add3A_68 : vector<16xf32>
      %broadcast_in_dim3A = arith.constant 0.00138106791 : f32
      %broadcast_in_dim3A_70 = vector.broadcast %broadcast_in_dim3A : f32 to vector<16xf32>
      %lt3A = arith.constant 2.621440e+05 : f32
      %lt3A_71 = vector.broadcast %lt3A : f32 to vector<16xf32>
      %lt3A_72 = arith.cmpf olt, %add3A_69, %lt3A_71 : vector<16xf32>
      %jit3A = arith.constant 0.00276213582 : f32
      %broadcast_in_dim3A_73 = vector.broadcast %jit3A : f32 to vector<16xf32>
      %select_n3A = arith.select %lt3A_72, %broadcast_in_dim3A_73, %broadcast_in_dim3A_70 : vector<16xi1>, vector<16xf32>
      %lt3A_74 = arith.constant 6.553600e+04 : f32
      %lt3A_75 = vector.broadcast %lt3A_74 : f32 to vector<16xf32>
      %lt3A_76 = arith.cmpf olt, %add3A_69, %lt3A_75 : vector<16xf32>
      %jit3A_77 = arith.constant 0.00552427163 : f32
      %broadcast_in_dim3A_78 = vector.broadcast %jit3A_77 : f32 to vector<16xf32>
      %select_n3A_79 = arith.select %lt3A_76, %broadcast_in_dim3A_78, %select_n3A : vector<16xi1>, vector<16xf32>
      %lt3A_80 = arith.constant 1.638400e+04 : f32
      %lt3A_81 = vector.broadcast %lt3A_80 : f32 to vector<16xf32>
      %lt3A_82 = arith.cmpf olt, %add3A_69, %lt3A_81 : vector<16xf32>
      %jit3A_83 = arith.constant 0.0110485433 : f32
      %broadcast_in_dim3A_84 = vector.broadcast %jit3A_83 : f32 to vector<16xf32>
      %select_n3A_85 = arith.select %lt3A_82, %broadcast_in_dim3A_84, %select_n3A_79 : vector<16xi1>, vector<16xf32>
      %lt3A_86 = arith.constant 4.096000e+03 : f32
      %lt3A_87 = vector.broadcast %lt3A_86 : f32 to vector<16xf32>
      %lt3A_88 = arith.cmpf olt, %add3A_69, %lt3A_87 : vector<16xf32>
      %jit3A_89 = arith.constant 0.0220970865 : f32
      %broadcast_in_dim3A_90 = vector.broadcast %jit3A_89 : f32 to vector<16xf32>
      %select_n3A_91 = arith.select %lt3A_88, %broadcast_in_dim3A_90, %select_n3A_85 : vector<16xi1>, vector<16xf32>
      %lt3A_92 = arith.constant 1.024000e+03 : f32
      %lt3A_93 = vector.broadcast %lt3A_92 : f32 to vector<16xf32>
      %lt3A_94 = arith.cmpf olt, %add3A_69, %lt3A_93 : vector<16xf32>
      %jit3A_95 = arith.constant 0.0441941731 : f32
      %broadcast_in_dim3A_96 = vector.broadcast %jit3A_95 : f32 to vector<16xf32>
      %select_n3A_97 = arith.select %lt3A_94, %broadcast_in_dim3A_96, %select_n3A_91 : vector<16xi1>, vector<16xf32>
      %lt3A_98 = arith.constant 2.560000e+02 : f32
      %lt3A_99 = vector.broadcast %lt3A_98 : f32 to vector<16xf32>
      %lt3A_100 = arith.cmpf olt, %add3A_69, %lt3A_99 : vector<16xf32>
      %jit3A_101 = arith.constant 0.0883883461 : f32
      %broadcast_in_dim3A_102 = vector.broadcast %jit3A_101 : f32 to vector<16xf32>
      %select_n3A_103 = arith.select %lt3A_100, %broadcast_in_dim3A_102, %select_n3A_97 : vector<16xi1>, vector<16xf32>
      %lt3A_104 = arith.constant 6.400000e+01 : f32
      %lt3A_105 = vector.broadcast %lt3A_104 : f32 to vector<16xf32>
      %lt3A_106 = arith.cmpf olt, %add3A_69, %lt3A_105 : vector<16xf32>
      %jit3A_107 = arith.constant 0.176776692 : f32
      %broadcast_in_dim3A_108 = vector.broadcast %jit3A_107 : f32 to vector<16xf32>
      %select_n3A_109 = arith.select %lt3A_106, %broadcast_in_dim3A_108, %select_n3A_103 : vector<16xi1>, vector<16xf32>
      %lt3A_110 = arith.constant 1.600000e+01 : f32
      %lt3A_111 = vector.broadcast %lt3A_110 : f32 to vector<16xf32>
      %lt3A_112 = arith.cmpf olt, %add3A_69, %lt3A_111 : vector<16xf32>
      %jit3A_113 = arith.constant 0.353553385 : f32
      %broadcast_in_dim3A_114 = vector.broadcast %jit3A_113 : f32 to vector<16xf32>
      %select_n3A_115 = arith.select %lt3A_112, %broadcast_in_dim3A_114, %select_n3A_109 : vector<16xi1>, vector<16xf32>
      %lt3A_116 = arith.constant 4.000000e+00 : f32
      %lt3A_117 = vector.broadcast %lt3A_116 : f32 to vector<16xf32>
      %lt3A_118 = arith.cmpf olt, %add3A_69, %lt3A_117 : vector<16xf32>
      %jit3A_119 = arith.constant 0.707106769 : f32
      %broadcast_in_dim3A_120 = vector.broadcast %jit3A_119 : f32 to vector<16xf32>
      %select_n3A_121 = arith.select %lt3A_118, %broadcast_in_dim3A_120, %select_n3A_115 : vector<16xi1>, vector<16xf32>
      %lt3A_122 = arith.constant 1.000000e+00 : f32
      %lt3A_123 = vector.broadcast %lt3A_122 : f32 to vector<16xf32>
      %lt3A_124 = arith.cmpf olt, %add3A_69, %lt3A_123 : vector<16xf32>
      %jit3A_125 = arith.constant 1.41421354 : f32
      %broadcast_in_dim3A_126 = vector.broadcast %jit3A_125 : f32 to vector<16xf32>
      %select_n3A_127 = arith.select %lt3A_124, %broadcast_in_dim3A_126, %select_n3A_121 : vector<16xi1>, vector<16xf32>
      %mul3A_128 = arith.constant 5.000000e-01 : f32
      %mul3A_129 = vector.broadcast %mul3A_128 : f32 to vector<16xf32>
      %mul3A_130 = arith.mulf %mul3A_129, %add3A_69 : vector<16xf32>
      %mul3A_131 = arith.mulf %mul3A_130, %select_n3A_127 : vector<16xf32>
      %mul3A_132 = arith.mulf %mul3A_131, %select_n3A_127 : vector<16xf32>
      %sub3A = arith.constant 1.500000e+00 : f32
      %sub3A_133 = vector.broadcast %sub3A : f32 to vector<16xf32>
      %sub3A_134 = arith.subf %sub3A_133, %mul3A_132 : vector<16xf32>
      %mul3A_135 = arith.mulf %select_n3A_127, %sub3A_134 : vector<16xf32>
      %mul3A_136 = arith.constant 5.000000e-01 : f32
      %mul3A_137 = vector.broadcast %mul3A_136 : f32 to vector<16xf32>
      %mul3A_138 = arith.mulf %mul3A_137, %add3A_69 : vector<16xf32>
      %mul3A_139 = arith.mulf %mul3A_138, %mul3A_135 : vector<16xf32>
      %mul3A_140 = arith.mulf %mul3A_139, %mul3A_135 : vector<16xf32>
      %sub3A_141 = arith.constant 1.500000e+00 : f32
      %sub3A_142 = vector.broadcast %sub3A_141 : f32 to vector<16xf32>
      %sub3A_143 = arith.subf %sub3A_142, %mul3A_140 : vector<16xf32>
      %mul3A_144 = arith.mulf %mul3A_135, %sub3A_143 : vector<16xf32>
      %mul3A_145 = arith.constant 5.000000e-01 : f32
      %mul3A_146 = vector.broadcast %mul3A_145 : f32 to vector<16xf32>
      %mul3A_147 = arith.mulf %mul3A_146, %add3A_69 : vector<16xf32>
      %mul3A_148 = arith.mulf %mul3A_147, %mul3A_144 : vector<16xf32>
      %mul3A_149 = arith.mulf %mul3A_148, %mul3A_144 : vector<16xf32>
      %sub3A_150 = arith.constant 1.500000e+00 : f32
      %sub3A_151 = vector.broadcast %sub3A_150 : f32 to vector<16xf32>
      %sub3A_152 = arith.subf %sub3A_151, %mul3A_149 : vector<16xf32>
      %mul3A_153 = arith.mulf %mul3A_144, %sub3A_152 : vector<16xf32>
      %mul3A_154 = arith.constant 5.000000e-01 : f32
      %mul3A_155 = vector.broadcast %mul3A_154 : f32 to vector<16xf32>
      %mul3A_156 = arith.mulf %mul3A_155, %add3A_69 : vector<16xf32>
      %mul3A_157 = arith.mulf %mul3A_156, %mul3A_153 : vector<16xf32>
      %mul3A_158 = arith.mulf %mul3A_157, %mul3A_153 : vector<16xf32>
      %sub3A_159 = arith.constant 1.500000e+00 : f32
      %sub3A_160 = vector.broadcast %sub3A_159 : f32 to vector<16xf32>
      %sub3A_161 = arith.subf %sub3A_160, %mul3A_158 : vector<16xf32>
      %mul3A_162 = arith.mulf %mul3A_153, %sub3A_161 : vector<16xf32>
      %mul3A_163 = arith.constant 5.000000e-01 : f32
      %mul3A_164 = vector.broadcast %mul3A_163 : f32 to vector<16xf32>
      %mul3A_165 = arith.mulf %mul3A_164, %add3A_69 : vector<16xf32>
      %mul3A_166 = arith.mulf %mul3A_165, %mul3A_162 : vector<16xf32>
      %mul3A_167 = arith.mulf %mul3A_166, %mul3A_162 : vector<16xf32>
      %sub3A_168 = arith.constant 1.500000e+00 : f32
      %sub3A_169 = vector.broadcast %sub3A_168 : f32 to vector<16xf32>
      %sub3A_170 = arith.subf %sub3A_169, %mul3A_167 : vector<16xf32>
      %mul3A_171 = arith.mulf %mul3A_162, %sub3A_170 : vector<16xf32>
      %mul3A_172 = arith.constant 5.000000e-01 : f32
      %mul3A_173 = vector.broadcast %mul3A_172 : f32 to vector<16xf32>
      %mul3A_174 = arith.mulf %mul3A_173, %add3A_69 : vector<16xf32>
      %mul3A_175 = arith.mulf %mul3A_174, %mul3A_171 : vector<16xf32>
      %mul3A_176 = arith.mulf %mul3A_175, %mul3A_171 : vector<16xf32>
      %sub3A_177 = arith.constant 1.500000e+00 : f32
      %sub3A_178 = vector.broadcast %sub3A_177 : f32 to vector<16xf32>
      %sub3A_179 = arith.subf %sub3A_178, %mul3A_176 : vector<16xf32>
      %mul3A_180 = arith.mulf %mul3A_171, %sub3A_179 : vector<16xf32>
      %swap3A = arith.index_cast %scan3A_62 : i32 to index
      %swap3A_181 = arith.constant 0 : index
      %swap3A_182 = tpu.vector_load %arg16[%swap3A, %swap3A_181] {strides = array<i32>} : memref<632x16xf32, #tpu.memory_space<vmem>>, vector<1x16xf32>,
      %swap3A_183 = vector.shape_cast %swap3A_182 : vector<1x16xf32> to vector<16xf32>
      %swap3A_184 = vector.shape_cast %mul3A_180 : vector<16xf32> to vector<1x16xf32>
      tpu.vector_store %arg16[%swap3A, %swap3A_181], %swap3A_184 {strides = array<i32>} : memref<632x16xf32, #tpu.memory_space<vmem>>, vector<1x16xf32>,
      %get3A_185 = arith.index_cast %scan3A_62 : i32 to index
      %get3A_186 = arith.constant 0 : index
      %get3A_187 = tpu.vector_load %arg14[%get3A_185, %get3A_186] {strides = array<i32>} : memref<632x16xf32, #tpu.memory_space<vmem>>, vector<1x16xf32>,
      %get3A_188 = vector.shape_cast %get3A_187 : vector<1x16xf32> to vector<16xf32>
      %mul3A_189 = arith.mulf %get3A_46, %get3A_188 : vector<16xf32>
      %swap3A_190 = arith.index_cast %scan3A_62 : i32 to index
      %swap3A_191 = arith.constant 0 : index
      %swap3A_192 = tpu.vector_load %arg15[%swap3A_190, %swap3A_191] {strides = array<i32>} : memref<632x16xf32, #tpu.memory_space<vmem>>, vector<1x16xf32>,
      %swap3A_193 = vector.shape_cast %swap3A_192 : vector<1x16xf32> to vector<16xf32>
      %swap3A_194 = vector.shape_cast %mul3A_189 : vector<16xf32> to vector<1x16xf32>
      tpu.vector_store %arg15[%swap3A_190, %swap3A_191], %swap3A_194 {strides = array<i32>} : memref<632x16xf32, #tpu.memory_space<vmem>>, vector<1x16xf32>,
      %mul3A_195 = arith.mulf %mul3A_180, %get3A_188 : vector<16xf32>
      %swap3A_196 = arith.index_cast %scan3A_62 : i32 to index
      %swap3A_197 = arith.constant 0 : index
      %swap3A_198 = tpu.vector_load %arg14[%swap3A_196, %swap3A_197] {strides = array<i32>} : memref<632x16xf32, #tpu.memory_space<vmem>>, vector<1x16xf32>,
      %swap3A_199 = vector.shape_cast %swap3A_198 : vector<1x16xf32> to vector<16xf32>
      %swap3A_200 = vector.shape_cast %mul3A_195 : vector<16xf32> to vector<1x16xf32>
      tpu.vector_store %arg14[%swap3A_196, %swap3A_197], %swap3A_200 {strides = array<i32>} : memref<632x16xf32, #tpu.memory_space<vmem>>, vector<1x16xf32>,
      %scan3A_201 = arith.constant 0 : i32
      scf.yield %scan3A_201 : i32
    }
    %scan3A_53 = arith.constant 632 : i32
    "tpu.region"() ({
      %run_scoped3A = tpu.sem_alloc : memref<!tpu.dma_semaphore, #tpu.memory_space<semaphore_mem>>
      %dma_start3A = arith.constant 0 : i32
      %dma_start3A_62 = tpu.memref_slice %arg7[%mul3A_0, %dma_start3A] : memref<10120x16xf32, #tpu.memory_space<vmem_shared>> -> memref<632x16xf32, #tpu.memory_space<vmem_shared>>
      %dma_start3A_63 = arith.constant 0 : i32
      %dma_start3A_64 = tpu.memref_slice %arg7[%mul3A_0, %dma_start3A_63] : memref<10120x16xf32, #tpu.memory_space<vmem_shared>> -> memref<632x16xf32, #tpu.memory_space<vmem_shared>>
      tpu.enqueue_dma source(%arg14 : memref<632x16xf32, #tpu.memory_space<vmem>>) target(%dma_start3A_64 : memref<632x16xf32, #tpu.memory_space<vmem_shared>>) target_semaphore(%run_scoped3A : memref<!tpu.dma_semaphore, #tpu.memory_space<semaphore_mem>>)
      %dma_wait3A_65 = arith.constant 0 : i32
      %dma_wait3A_66 = tpu.memref_slice %arg7[%mul3A_0, %dma_wait3A_65] : memref<10120x16xf32, #tpu.memory_space<vmem_shared>> -> memref<632x16xf32, #tpu.memory_space<vmem_shared>>
      %dma_wait3A_67 = arith.constant 0 : i32
      %dma_wait3A_68 = tpu.memref_slice %arg7[%mul3A_0, %dma_wait3A_67] : memref<10120x16xf32, #tpu.memory_space<vmem_shared>> -> memref<632x16xf32, #tpu.memory_space<vmem_shared>>
      tpu.wait_dma2 semaphore(%run_scoped3A : memref<!tpu.dma_semaphore, #tpu.memory_space<semaphore_mem>>) src(%arg14 : memref<632x16xf32, #tpu.memory_space<vmem>>) dst(%dma_wait3A_68 : memref<632x16xf32, #tpu.memory_space<vmem_shared>>)
      tpu.yield
    }) : () -> ()
    "tpu.region"() ({
      %run_scoped3A = tpu.sem_alloc : memref<!tpu.dma_semaphore, #tpu.memory_space<semaphore_mem>>
      %dma_start3A = arith.constant 0 : i32
      %dma_start3A_62 = arith.constant 0 : i32
      %dma_start3A_63 = tpu.memref_slice %arg18[%dma_start3A, %dma_start3A_62] : memref<640x16xf32, #tpu.memory_space<vmem>> -> memref<632x16xf32, #tpu.memory_space<vmem>>
      %dma_start3A_64 = arith.constant 0 : i32
      %dma_start3A_65 = tpu.memref_slice %arg8[%mul3A_0, %dma_start3A_64] : memref<10120x16xf32, #tpu.memory_space<vmem_shared>> -> memref<632x16xf32, #tpu.memory_space<vmem_shared>>
      %dma_start3A_66 = arith.constant 0 : i32
      %dma_start3A_67 = tpu.memref_slice %arg8[%mul3A_0, %dma_start3A_66] : memref<10120x16xf32, #tpu.memory_space<vmem_shared>> -> memref<632x16xf32, #tpu.memory_space<vmem_shared>>
      %dma_start3A_68 = arith.constant 0 : i32
      %dma_start3A_69 = arith.constant 0 : i32
      %dma_start3A_70 = tpu.memref_slice %arg18[%dma_start3A_68, %dma_start3A_69] : memref<640x16xf32, #tpu.memory_space<vmem>> -> memref<632x16xf32, #tpu.memory_space<vmem>>
      tpu.enqueue_dma source(%dma_start3A_70 : memref<632x16xf32, #tpu.memory_space<vmem>>) target(%dma_start3A_67 : memref<632x16xf32, #tpu.memory_space<vmem_shared>>) target_semaphore(%run_scoped3A : memref<!tpu.dma_semaphore, #tpu.memory_space<semaphore_mem>>)
      %dma_wait3A_71 = arith.constant 0 : i32
      %dma_wait3A_72 = arith.constant 0 : i32
      %dma_wait3A_73 = tpu.memref_slice %arg18[%dma_wait3A_71, %dma_wait3A_72] : memref<640x16xf32, #tpu.memory_space<vmem>> -> memref<632x16xf32, #tpu.memory_space<vmem>>
      %dma_wait3A_74 = arith.constant 0 : i32
      %dma_wait3A_75 = tpu.memref_slice %arg8[%mul3A_0, %dma_wait3A_74] : memref<10120x16xf32, #tpu.memory_space<vmem_shared>> -> memref<632x16xf32, #tpu.memory_space<vmem_shared>>
      %dma_wait3A_76 = arith.constant 0 : i32
      %dma_wait3A_77 = tpu.memref_slice %arg8[%mul3A_0, %dma_wait3A_76] : memref<10120x16xf32, #tpu.memory_space<vmem_shared>> -> memref<632x16xf32, #tpu.memory_space<vmem_shared>>
      %dma_wait3A_78 = arith.constant 0 : i32
      %dma_wait3A_79 = arith.constant 0 : i32
      %dma_wait3A_80 = tpu.memref_slice %arg18[%dma_wait3A_78, %dma_wait3A_79] : memref<640x16xf32, #tpu.memory_space<vmem>> -> memref<632x16xf32, #tpu.memory_space<vmem>>
      tpu.wait_dma2 semaphore(%run_scoped3A : memref<!tpu.dma_semaphore, #tpu.memory_space<semaphore_mem>>) src(%dma_wait3A_80 : memref<632x16xf32, #tpu.memory_space<vmem>>) dst(%dma_wait3A_77 : memref<632x16xf32, #tpu.memory_space<vmem_shared>>)
      tpu.yield
    }) : () -> ()
    %barrier3A_54 = arith.constant 0 : index
    tpu.barrier barrier_id(%barrier3A_54)
    %scan3A_55 = arith.constant 0 : i32
    %scan3A_56 = arith.constant 1 : i32
    %scan3A_57 = arith.constant 10 : i32
    %scan3A_58 = arith.addi %scan3A_56, %scan3A_57 : i32
    %scan3A_59 = arith.constant 1 : i32
    %scan3A_60 = scf.for %scan3A_62 = %scan3A_56 to %scan3A_58 step %scan3A_59 iter_args(%scan3A_63 = %scan3A_55) -> (i32)  : i32 {
      %scan3A_64 = arith.constant 0 : i32
      %scan3A_65 = arith.constant 0 : i32
      %scan3A_66 = arith.constant 164 : i32
      %scan3A_67 = arith.addi %scan3A_65, %scan3A_66 : i32
      %scan3A_68 = arith.constant 1 : i32
      %scan3A_69 = scf.for %scan3A_205 = %scan3A_65 to %scan3A_67 step %scan3A_68 iter_args(%scan3A_206 = %scan3A_64) -> (i32)  : i32 {
        %lt3A = arith.constant 160 : i32
        %lt3A_207 = arith.cmpi slt, %scan3A_205, %lt3A : i32
        %convert_element_type3A_208 = arith.extui %lt3A_207 : i1 to i32
        %cond3A_209 = arith.constant 0 : i32
        %cond3A_210 = arith.cmpi ne, %convert_element_type3A_208, %cond3A_209 : i32
        scf.if %cond3A_210 {
          %rem3A = arith.constant 8 : i32
          %rem3A_217 = arith.remsi %scan3A_205, %rem3A : i32
          %ge3A_218 = arith.constant 8 : i32
          %ge3A_219 = arith.cmpi sge, %scan3A_205, %ge3A_218 : i32
          %convert_element_type3A_220 = arith.extui %ge3A_219 : i1 to i32
          %cond3A_221 = arith.constant 0 : i32
          %cond3A_222 = arith.cmpi ne, %convert_element_type3A_220, %cond3A_221 : i32
          scf.if %cond3A_222 {
            %dma_wait3A_234 = arith.constant 0 : i32
            %dma_wait3A_235 = arith.constant 0 : i32
            %dma_wait3A_236 = arith.constant 0 : i32
            %dma_wait3A_237 = tpu.memref_slice %arg11[%rem3A_217, %dma_wait3A_235, %dma_wait3A_236] : memref<8x128x16xf32, #tpu.memory_space<vmem>> -> memref<1x128x16xf32, #tpu.memory_space<vmem>>
            %dma_wait3A_238 = tpu.memref_squeeze %dma_wait3A_237 : memref<1x128x16xf32, #tpu.memory_space<vmem>> -> memref<128x16xf32, #tpu.memory_space<vmem>>
            %dma_wait3A_239 = arith.constant 0 : i32
            %dma_wait3A_240 = tpu.memref_slice %arg10[%dma_wait3A_234, %dma_wait3A_239] : memref<160x128xi32, #tpu.memory_space<vmem>> -> memref<1x128xi32, #tpu.memory_space<vmem>>
            %dma_wait3A_241 = tpu.memref_squeeze %dma_wait3A_240 : memref<1x128xi32, #tpu.memory_space<vmem>> -> memref<128xi32, #tpu.memory_space<vmem>>
            %dma_wait3A_242 = arith.constant 0 : i32
            %dma_wait3A_243 = arith.constant 0 : i32
            %dma_wait3A_244 = tpu.memref_slice %arg8[%dma_wait3A_242, %dma_wait3A_243] : memref<10120x16xf32, #tpu.memory_space<vmem_shared>> -> memref<10120x16xf32, #tpu.memory_space<vmem_shared>>
            %dma_wait3A_245 = tpu.memref_slice %arg20[%rem3A_217] : memref<8x!tpu.dma_semaphore, #tpu.memory_space<semaphore_mem>> -> memref<1x!tpu.dma_semaphore, #tpu.memory_space<semaphore_mem>>
            %dma_wait3A_246 = tpu.memref_squeeze %dma_wait3A_245 : memref<1x!tpu.dma_semaphore, #tpu.memory_space<semaphore_mem>> -> memref<!tpu.dma_semaphore, #tpu.memory_space<semaphore_mem>>
            tpu.wait_indirect_dma semaphore(%dma_wait3A_246 : memref<!tpu.dma_semaphore, #tpu.memory_space<semaphore_mem>>) src(%dma_wait3A_238 : memref<128x16xf32, #tpu.memory_space<vmem>>) dst(%dma_wait3A_244 : memref<10120x16xf32, #tpu.memory_space<vmem_shared>>)
          } else {
          }
          %dma_start3A = arith.constant 0 : i32
          %dma_start3A_223 = arith.constant 0 : i32
          %dma_start3A_224 = tpu.memref_slice %arg11[%rem3A_217, %dma_start3A, %dma_start3A_223] : memref<8x128x16xf32, #tpu.memory_space<vmem>> -> memref<1x128x16xf32, #tpu.memory_space<vmem>>
          %dma_start3A_225 = tpu.memref_squeeze %dma_start3A_224 : memref<1x128x16xf32, #tpu.memory_space<vmem>> -> memref<128x16xf32, #tpu.memory_space<vmem>>
          %dma_start3A_226 = arith.constant 0 : i32
          %dma_start3A_227 = tpu.memref_slice %arg9[%scan3A_205, %dma_start3A_226] : memref<160x128xi32, #tpu.memory_space<vmem>> -> memref<1x128xi32, #tpu.memory_space<vmem>>
          %dma_start3A_228 = tpu.memref_squeeze %dma_start3A_227 : memref<1x128xi32, #tpu.memory_space<vmem>> -> memref<128xi32, #tpu.memory_space<vmem>>
          %dma_start3A_229 = arith.constant 0 : i32
          %dma_start3A_230 = arith.constant 0 : i32
          %dma_start3A_231 = tpu.memref_slice %arg7[%dma_start3A_229, %dma_start3A_230] : memref<10120x16xf32, #tpu.memory_space<vmem_shared>> -> memref<10120x16xf32, #tpu.memory_space<vmem_shared>>
          %dma_start3A_232 = tpu.memref_slice %arg19[%rem3A_217] : memref<8x!tpu.dma_semaphore, #tpu.memory_space<semaphore_mem>> -> memref<1x!tpu.dma_semaphore, #tpu.memory_space<semaphore_mem>>
          %dma_start3A_233 = tpu.memref_squeeze %dma_start3A_232 : memref<1x!tpu.dma_semaphore, #tpu.memory_space<semaphore_mem>> -> memref<!tpu.dma_semaphore, #tpu.memory_space<semaphore_mem>>
          tpu.enqueue_indirect_dma source(%dma_start3A_231 : memref<10120x16xf32, #tpu.memory_space<vmem_shared>>) target(%dma_start3A_225 : memref<128x16xf32, #tpu.memory_space<vmem>>) offsets(%dma_start3A_228 : memref<128xi32, #tpu.memory_space<vmem>>) semaphore(%dma_start3A_233 : memref<!tpu.dma_semaphore, #tpu.memory_space<semaphore_mem>>)
        } else {
        }
        %sub3A = arith.constant 4 : i32
        %sub3A_211 = arith.subi %scan3A_205, %sub3A : i32
        %ge3A = arith.constant 0 : i32
        %ge3A_212 = arith.cmpi sge, %sub3A_211, %ge3A : i32
        %convert_element_type3A_213 = arith.extui %ge3A_212 : i1 to i32
        %cond3A_214 = arith.constant 0 : i32
        %cond3A_215 = arith.cmpi ne, %convert_element_type3A_213, %cond3A_214 : i32
        scf.if %cond3A_215 {
          %rem3A = arith.constant 8 : i32
          %rem3A_217 = arith.remsi %sub3A_211, %rem3A : i32
          %dma_wait3A_218 = arith.constant 0 : i32
          %dma_wait3A_219 = arith.constant 0 : i32
          %dma_wait3A_220 = arith.constant 0 : i32
          %dma_wait3A_221 = tpu.memref_slice %arg11[%rem3A_217, %dma_wait3A_219, %dma_wait3A_220] : memref<8x128x16xf32, #tpu.memory_space<vmem>> -> memref<1x128x16xf32, #tpu.memory_space<vmem>>
          %dma_wait3A_222 = tpu.memref_squeeze %dma_wait3A_221 : memref<1x128x16xf32, #tpu.memory_space<vmem>> -> memref<128x16xf32, #tpu.memory_space<vmem>>
          %dma_wait3A_223 = arith.constant 0 : i32
          %dma_wait3A_224 = tpu.memref_slice %arg9[%dma_wait3A_218, %dma_wait3A_223] : memref<160x128xi32, #tpu.memory_space<vmem>> -> memref<1x128xi32, #tpu.memory_space<vmem>>
          %dma_wait3A_225 = tpu.memref_squeeze %dma_wait3A_224 : memref<1x128xi32, #tpu.memory_space<vmem>> -> memref<128xi32, #tpu.memory_space<vmem>>
          %dma_wait3A_226 = arith.constant 0 : i32
          %dma_wait3A_227 = arith.constant 0 : i32
          %dma_wait3A_228 = tpu.memref_slice %arg7[%dma_wait3A_226, %dma_wait3A_227] : memref<10120x16xf32, #tpu.memory_space<vmem_shared>> -> memref<10120x16xf32, #tpu.memory_space<vmem_shared>>
          %dma_wait3A_229 = tpu.memref_slice %arg19[%rem3A_217] : memref<8x!tpu.dma_semaphore, #tpu.memory_space<semaphore_mem>> -> memref<1x!tpu.dma_semaphore, #tpu.memory_space<semaphore_mem>>
          %dma_wait3A_230 = tpu.memref_squeeze %dma_wait3A_229 : memref<1x!tpu.dma_semaphore, #tpu.memory_space<semaphore_mem>> -> memref<!tpu.dma_semaphore, #tpu.memory_space<semaphore_mem>>
          tpu.wait_indirect_dma semaphore(%dma_wait3A_230 : memref<!tpu.dma_semaphore, #tpu.memory_space<semaphore_mem>>) src(%dma_wait3A_228 : memref<10120x16xf32, #tpu.memory_space<vmem_shared>>) dst(%dma_wait3A_222 : memref<128x16xf32, #tpu.memory_space<vmem>>)
          %dma_start3A = arith.constant 0 : i32
          %dma_start3A_231 = arith.constant 0 : i32
          %dma_start3A_232 = tpu.memref_slice %arg11[%rem3A_217, %dma_start3A, %dma_start3A_231] : memref<8x128x16xf32, #tpu.memory_space<vmem>> -> memref<1x128x16xf32, #tpu.memory_space<vmem>>
          %dma_start3A_233 = tpu.memref_squeeze %dma_start3A_232 : memref<1x128x16xf32, #tpu.memory_space<vmem>> -> memref<128x16xf32, #tpu.memory_space<vmem>>
          %dma_start3A_234 = arith.constant 0 : i32
          %dma_start3A_235 = tpu.memref_slice %arg10[%sub3A_211, %dma_start3A_234] : memref<160x128xi32, #tpu.memory_space<vmem>> -> memref<1x128xi32, #tpu.memory_space<vmem>>
          %dma_start3A_236 = tpu.memref_squeeze %dma_start3A_235 : memref<1x128xi32, #tpu.memory_space<vmem>> -> memref<128xi32, #tpu.memory_space<vmem>>
          %dma_start3A_237 = arith.constant 0 : i32
          %dma_start3A_238 = arith.constant 0 : i32
          %dma_start3A_239 = tpu.memref_slice %arg8[%dma_start3A_237, %dma_start3A_238] : memref<10120x16xf32, #tpu.memory_space<vmem_shared>> -> memref<10120x16xf32, #tpu.memory_space<vmem_shared>>
          %dma_start3A_240 = tpu.memref_slice %arg20[%rem3A_217] : memref<8x!tpu.dma_semaphore, #tpu.memory_space<semaphore_mem>> -> memref<1x!tpu.dma_semaphore, #tpu.memory_space<semaphore_mem>>
          %dma_start3A_241 = tpu.memref_squeeze %dma_start3A_240 : memref<1x!tpu.dma_semaphore, #tpu.memory_space<semaphore_mem>> -> memref<!tpu.dma_semaphore, #tpu.memory_space<semaphore_mem>>
          tpu.enqueue_indirect_dma source(%dma_start3A_233 : memref<128x16xf32, #tpu.memory_space<vmem>>) target(%dma_start3A_239 : memref<10120x16xf32, #tpu.memory_space<vmem_shared>>) offsets(%dma_start3A_236 : memref<128xi32, #tpu.memory_space<vmem>>) semaphore(%dma_start3A_241 : memref<!tpu.dma_semaphore, #tpu.memory_space<semaphore_mem>>) {add = true}
        } else {
        }
        %scan3A_216 = arith.constant 0 : i32
        scf.yield %scan3A_216 : i32
      }
      %scan3A_70 = arith.constant 164 : i32
      %dma_wait3A_71 = arith.constant 0 : i32
      %dma_wait3A_72 = arith.constant 0 : i32
      %dma_wait3A_73 = arith.constant 0 : i32
      %dma_wait3A_74 = arith.constant 0 : i32
      %dma_wait3A_75 = arith.constant 0 : i32
      %dma_wait3A_76 = tpu.memref_slice %arg11[%dma_wait3A_71, %dma_wait3A_74, %dma_wait3A_75] : memref<8x128x16xf32, #tpu.memory_space<vmem>> -> memref<1x128x16xf32, #tpu.memory_space<vmem>>
      %dma_wait3A_77 = tpu.memref_squeeze %dma_wait3A_76 : memref<1x128x16xf32, #tpu.memory_space<vmem>> -> memref<128x16xf32, #tpu.memory_space<vmem>>
      %dma_wait3A_78 = arith.constant 0 : i32
      %dma_wait3A_79 = tpu.memref_slice %arg10[%dma_wait3A_72, %dma_wait3A_78] : memref<160x128xi32, #tpu.memory_space<vmem>> -> memref<1x128xi32, #tpu.memory_space<vmem>>
      %dma_wait3A_80 = tpu.memref_squeeze %dma_wait3A_79 : memref<1x128xi32, #tpu.memory_space<vmem>> -> memref<128xi32, #tpu.memory_space<vmem>>
      %dma_wait3A_81 = arith.constant 0 : i32
      %dma_wait3A_82 = arith.constant 0 : i32
      %dma_wait3A_83 = tpu.memref_slice %arg8[%dma_wait3A_81, %dma_wait3A_82] : memref<10120x16xf32, #tpu.memory_space<vmem_shared>> -> memref<10120x16xf32, #tpu.memory_space<vmem_shared>>
      %dma_wait3A_84 = tpu.memref_slice %arg20[%dma_wait3A_73] : memref<8x!tpu.dma_semaphore, #tpu.memory_space<semaphore_mem>> -> memref<1x!tpu.dma_semaphore, #tpu.memory_space<semaphore_mem>>
      %dma_wait3A_85 = tpu.memref_squeeze %dma_wait3A_84 : memref<1x!tpu.dma_semaphore, #tpu.memory_space<semaphore_mem>> -> memref<!tpu.dma_semaphore, #tpu.memory_space<semaphore_mem>>
      tpu.wait_indirect_dma semaphore(%dma_wait3A_85 : memref<!tpu.dma_semaphore, #tpu.memory_space<semaphore_mem>>) src(%dma_wait3A_77 : memref<128x16xf32, #tpu.memory_space<vmem>>) dst(%dma_wait3A_83 : memref<10120x16xf32, #tpu.memory_space<vmem_shared>>)
      %dma_wait3A_86 = arith.constant 1 : i32
      %dma_wait3A_87 = arith.constant 0 : i32
      %dma_wait3A_88 = arith.constant 1 : i32
      %dma_wait3A_89 = arith.constant 0 : i32
      %dma_wait3A_90 = arith.constant 0 : i32
      %dma_wait3A_91 = tpu.memref_slice %arg11[%dma_wait3A_86, %dma_wait3A_89, %dma_wait3A_90] : memref<8x128x16xf32, #tpu.memory_space<vmem>> -> memref<1x128x16xf32, #tpu.memory_space<vmem>>
      %dma_wait3A_92 = tpu.memref_squeeze %dma_wait3A_91 : memref<1x128x16xf32, #tpu.memory_space<vmem>> -> memref<128x16xf32, #tpu.memory_space<vmem>>
      %dma_wait3A_93 = arith.constant 0 : i32
      %dma_wait3A_94 = tpu.memref_slice %arg10[%dma_wait3A_87, %dma_wait3A_93] : memref<160x128xi32, #tpu.memory_space<vmem>> -> memref<1x128xi32, #tpu.memory_space<vmem>>
      %dma_wait3A_95 = tpu.memref_squeeze %dma_wait3A_94 : memref<1x128xi32, #tpu.memory_space<vmem>> -> memref<128xi32, #tpu.memory_space<vmem>>
      %dma_wait3A_96 = arith.constant 0 : i32
      %dma_wait3A_97 = arith.constant 0 : i32
      %dma_wait3A_98 = tpu.memref_slice %arg8[%dma_wait3A_96, %dma_wait3A_97] : memref<10120x16xf32, #tpu.memory_space<vmem_shared>> -> memref<10120x16xf32, #tpu.memory_space<vmem_shared>>
      %dma_wait3A_99 = tpu.memref_slice %arg20[%dma_wait3A_88] : memref<8x!tpu.dma_semaphore, #tpu.memory_space<semaphore_mem>> -> memref<1x!tpu.dma_semaphore, #tpu.memory_space<semaphore_mem>>
      %dma_wait3A_100 = tpu.memref_squeeze %dma_wait3A_99 : memref<1x!tpu.dma_semaphore, #tpu.memory_space<semaphore_mem>> -> memref<!tpu.dma_semaphore, #tpu.memory_space<semaphore_mem>>
      tpu.wait_indirect_dma semaphore(%dma_wait3A_100 : memref<!tpu.dma_semaphore, #tpu.memory_space<semaphore_mem>>) src(%dma_wait3A_92 : memref<128x16xf32, #tpu.memory_space<vmem>>) dst(%dma_wait3A_98 : memref<10120x16xf32, #tpu.memory_space<vmem_shared>>)
      %dma_wait3A_101 = arith.constant 2 : i32
      %dma_wait3A_102 = arith.constant 0 : i32
      %dma_wait3A_103 = arith.constant 2 : i32
      %dma_wait3A_104 = arith.constant 0 : i32
      %dma_wait3A_105 = arith.constant 0 : i32
      %dma_wait3A_106 = tpu.memref_slice %arg11[%dma_wait3A_101, %dma_wait3A_104, %dma_wait3A_105] : memref<8x128x16xf32, #tpu.memory_space<vmem>> -> memref<1x128x16xf32, #tpu.memory_space<vmem>>
      %dma_wait3A_107 = tpu.memref_squeeze %dma_wait3A_106 : memref<1x128x16xf32, #tpu.memory_space<vmem>> -> memref<128x16xf32, #tpu.memory_space<vmem>>
      %dma_wait3A_108 = arith.constant 0 : i32
      %dma_wait3A_109 = tpu.memref_slice %arg10[%dma_wait3A_102, %dma_wait3A_108] : memref<160x128xi32, #tpu.memory_space<vmem>> -> memref<1x128xi32, #tpu.memory_space<vmem>>
      %dma_wait3A_110 = tpu.memref_squeeze %dma_wait3A_109 : memref<1x128xi32, #tpu.memory_space<vmem>> -> memref<128xi32, #tpu.memory_space<vmem>>
      %dma_wait3A_111 = arith.constant 0 : i32
      %dma_wait3A_112 = arith.constant 0 : i32
      %dma_wait3A_113 = tpu.memref_slice %arg8[%dma_wait3A_111, %dma_wait3A_112] : memref<10120x16xf32, #tpu.memory_space<vmem_shared>> -> memref<10120x16xf32, #tpu.memory_space<vmem_shared>>
      %dma_wait3A_114 = tpu.memref_slice %arg20[%dma_wait3A_103] : memref<8x!tpu.dma_semaphore, #tpu.memory_space<semaphore_mem>> -> memref<1x!tpu.dma_semaphore, #tpu.memory_space<semaphore_mem>>
      %dma_wait3A_115 = tpu.memref_squeeze %dma_wait3A_114 : memref<1x!tpu.dma_semaphore, #tpu.memory_space<semaphore_mem>> -> memref<!tpu.dma_semaphore, #tpu.memory_space<semaphore_mem>>
      tpu.wait_indirect_dma semaphore(%dma_wait3A_115 : memref<!tpu.dma_semaphore, #tpu.memory_space<semaphore_mem>>) src(%dma_wait3A_107 : memref<128x16xf32, #tpu.memory_space<vmem>>) dst(%dma_wait3A_113 : memref<10120x16xf32, #tpu.memory_space<vmem_shared>>)
      %dma_wait3A_116 = arith.constant 3 : i32
      %dma_wait3A_117 = arith.constant 0 : i32
      %dma_wait3A_118 = arith.constant 3 : i32
      %dma_wait3A_119 = arith.constant 0 : i32
      %dma_wait3A_120 = arith.constant 0 : i32
      %dma_wait3A_121 = tpu.memref_slice %arg11[%dma_wait3A_116, %dma_wait3A_119, %dma_wait3A_120] : memref<8x128x16xf32, #tpu.memory_space<vmem>> -> memref<1x128x16xf32, #tpu.memory_space<vmem>>
      %dma_wait3A_122 = tpu.memref_squeeze %dma_wait3A_121 : memref<1x128x16xf32, #tpu.memory_space<vmem>> -> memref<128x16xf32, #tpu.memory_space<vmem>>
      %dma_wait3A_123 = arith.constant 0 : i32
      %dma_wait3A_124 = tpu.memref_slice %arg10[%dma_wait3A_117, %dma_wait3A_123] : memref<160x128xi32, #tpu.memory_space<vmem>> -> memref<1x128xi32, #tpu.memory_space<vmem>>
      %dma_wait3A_125 = tpu.memref_squeeze %dma_wait3A_124 : memref<1x128xi32, #tpu.memory_space<vmem>> -> memref<128xi32, #tpu.memory_space<vmem>>
      %dma_wait3A_126 = arith.constant 0 : i32
      %dma_wait3A_127 = arith.constant 0 : i32
      %dma_wait3A_128 = tpu.memref_slice %arg8[%dma_wait3A_126, %dma_wait3A_127] : memref<10120x16xf32, #tpu.memory_space<vmem_shared>> -> memref<10120x16xf32, #tpu.memory_space<vmem_shared>>
      %dma_wait3A_129 = tpu.memref_slice %arg20[%dma_wait3A_118] : memref<8x!tpu.dma_semaphore, #tpu.memory_space<semaphore_mem>> -> memref<1x!tpu.dma_semaphore, #tpu.memory_space<semaphore_mem>>
      %dma_wait3A_130 = tpu.memref_squeeze %dma_wait3A_129 : memref<1x!tpu.dma_semaphore, #tpu.memory_space<semaphore_mem>> -> memref<!tpu.dma_semaphore, #tpu.memory_space<semaphore_mem>>
      tpu.wait_indirect_dma semaphore(%dma_wait3A_130 : memref<!tpu.dma_semaphore, #tpu.memory_space<semaphore_mem>>) src(%dma_wait3A_122 : memref<128x16xf32, #tpu.memory_space<vmem>>) dst(%dma_wait3A_128 : memref<10120x16xf32, #tpu.memory_space<vmem_shared>>)
      %dma_wait3A_131 = arith.constant 4 : i32
      %dma_wait3A_132 = arith.constant 0 : i32
      %dma_wait3A_133 = arith.constant 4 : i32
      %dma_wait3A_134 = arith.constant 0 : i32
      %dma_wait3A_135 = arith.constant 0 : i32
      %dma_wait3A_136 = tpu.memref_slice %arg11[%dma_wait3A_131, %dma_wait3A_134, %dma_wait3A_135] : memref<8x128x16xf32, #tpu.memory_space<vmem>> -> memref<1x128x16xf32, #tpu.memory_space<vmem>>
      %dma_wait3A_137 = tpu.memref_squeeze %dma_wait3A_136 : memref<1x128x16xf32, #tpu.memory_space<vmem>> -> memref<128x16xf32, #tpu.memory_space<vmem>>
      %dma_wait3A_138 = arith.constant 0 : i32
      %dma_wait3A_139 = tpu.memref_slice %arg10[%dma_wait3A_132, %dma_wait3A_138] : memref<160x128xi32, #tpu.memory_space<vmem>> -> memref<1x128xi32, #tpu.memory_space<vmem>>
      %dma_wait3A_140 = tpu.memref_squeeze %dma_wait3A_139 : memref<1x128xi32, #tpu.memory_space<vmem>> -> memref<128xi32, #tpu.memory_space<vmem>>
      %dma_wait3A_141 = arith.constant 0 : i32
      %dma_wait3A_142 = arith.constant 0 : i32
      %dma_wait3A_143 = tpu.memref_slice %arg8[%dma_wait3A_141, %dma_wait3A_142] : memref<10120x16xf32, #tpu.memory_space<vmem_shared>> -> memref<10120x16xf32, #tpu.memory_space<vmem_shared>>
      %dma_wait3A_144 = tpu.memref_slice %arg20[%dma_wait3A_133] : memref<8x!tpu.dma_semaphore, #tpu.memory_space<semaphore_mem>> -> memref<1x!tpu.dma_semaphore, #tpu.memory_space<semaphore_mem>>
      %dma_wait3A_145 = tpu.memref_squeeze %dma_wait3A_144 : memref<1x!tpu.dma_semaphore, #tpu.memory_space<semaphore_mem>> -> memref<!tpu.dma_semaphore, #tpu.memory_space<semaphore_mem>>
      tpu.wait_indirect_dma semaphore(%dma_wait3A_145 : memref<!tpu.dma_semaphore, #tpu.memory_space<semaphore_mem>>) src(%dma_wait3A_137 : memref<128x16xf32, #tpu.memory_space<vmem>>) dst(%dma_wait3A_143 : memref<10120x16xf32, #tpu.memory_space<vmem_shared>>)
      %dma_wait3A_146 = arith.constant 5 : i32
      %dma_wait3A_147 = arith.constant 0 : i32
      %dma_wait3A_148 = arith.constant 5 : i32
      %dma_wait3A_149 = arith.constant 0 : i32
      %dma_wait3A_150 = arith.constant 0 : i32
      %dma_wait3A_151 = tpu.memref_slice %arg11[%dma_wait3A_146, %dma_wait3A_149, %dma_wait3A_150] : memref<8x128x16xf32, #tpu.memory_space<vmem>> -> memref<1x128x16xf32, #tpu.memory_space<vmem>>
      %dma_wait3A_152 = tpu.memref_squeeze %dma_wait3A_151 : memref<1x128x16xf32, #tpu.memory_space<vmem>> -> memref<128x16xf32, #tpu.memory_space<vmem>>
      %dma_wait3A_153 = arith.constant 0 : i32
      %dma_wait3A_154 = tpu.memref_slice %arg10[%dma_wait3A_147, %dma_wait3A_153] : memref<160x128xi32, #tpu.memory_space<vmem>> -> memref<1x128xi32, #tpu.memory_space<vmem>>
      %dma_wait3A_155 = tpu.memref_squeeze %dma_wait3A_154 : memref<1x128xi32, #tpu.memory_space<vmem>> -> memref<128xi32, #tpu.memory_space<vmem>>
      %dma_wait3A_156 = arith.constant 0 : i32
      %dma_wait3A_157 = arith.constant 0 : i32
      %dma_wait3A_158 = tpu.memref_slice %arg8[%dma_wait3A_156, %dma_wait3A_157] : memref<10120x16xf32, #tpu.memory_space<vmem_shared>> -> memref<10120x16xf32, #tpu.memory_space<vmem_shared>>
      %dma_wait3A_159 = tpu.memref_slice %arg20[%dma_wait3A_148] : memref<8x!tpu.dma_semaphore, #tpu.memory_space<semaphore_mem>> -> memref<1x!tpu.dma_semaphore, #tpu.memory_space<semaphore_mem>>
      %dma_wait3A_160 = tpu.memref_squeeze %dma_wait3A_159 : memref<1x!tpu.dma_semaphore, #tpu.memory_space<semaphore_mem>> -> memref<!tpu.dma_semaphore, #tpu.memory_space<semaphore_mem>>
      tpu.wait_indirect_dma semaphore(%dma_wait3A_160 : memref<!tpu.dma_semaphore, #tpu.memory_space<semaphore_mem>>) src(%dma_wait3A_152 : memref<128x16xf32, #tpu.memory_space<vmem>>) dst(%dma_wait3A_158 : memref<10120x16xf32, #tpu.memory_space<vmem_shared>>)
      %dma_wait3A_161 = arith.constant 6 : i32
      %dma_wait3A_162 = arith.constant 0 : i32
      %dma_wait3A_163 = arith.constant 6 : i32
      %dma_wait3A_164 = arith.constant 0 : i32
      %dma_wait3A_165 = arith.constant 0 : i32
      %dma_wait3A_166 = tpu.memref_slice %arg11[%dma_wait3A_161, %dma_wait3A_164, %dma_wait3A_165] : memref<8x128x16xf32, #tpu.memory_space<vmem>> -> memref<1x128x16xf32, #tpu.memory_space<vmem>>
      %dma_wait3A_167 = tpu.memref_squeeze %dma_wait3A_166 : memref<1x128x16xf32, #tpu.memory_space<vmem>> -> memref<128x16xf32, #tpu.memory_space<vmem>>
      %dma_wait3A_168 = arith.constant 0 : i32
      %dma_wait3A_169 = tpu.memref_slice %arg10[%dma_wait3A_162, %dma_wait3A_168] : memref<160x128xi32, #tpu.memory_space<vmem>> -> memref<1x128xi32, #tpu.memory_space<vmem>>
      %dma_wait3A_170 = tpu.memref_squeeze %dma_wait3A_169 : memref<1x128xi32, #tpu.memory_space<vmem>> -> memref<128xi32, #tpu.memory_space<vmem>>
      %dma_wait3A_171 = arith.constant 0 : i32
      %dma_wait3A_172 = arith.constant 0 : i32
      %dma_wait3A_173 = tpu.memref_slice %arg8[%dma_wait3A_171, %dma_wait3A_172] : memref<10120x16xf32, #tpu.memory_space<vmem_shared>> -> memref<10120x16xf32, #tpu.memory_space<vmem_shared>>
      %dma_wait3A_174 = tpu.memref_slice %arg20[%dma_wait3A_163] : memref<8x!tpu.dma_semaphore, #tpu.memory_space<semaphore_mem>> -> memref<1x!tpu.dma_semaphore, #tpu.memory_space<semaphore_mem>>
      %dma_wait3A_175 = tpu.memref_squeeze %dma_wait3A_174 : memref<1x!tpu.dma_semaphore, #tpu.memory_space<semaphore_mem>> -> memref<!tpu.dma_semaphore, #tpu.memory_space<semaphore_mem>>
      tpu.wait_indirect_dma semaphore(%dma_wait3A_175 : memref<!tpu.dma_semaphore, #tpu.memory_space<semaphore_mem>>) src(%dma_wait3A_167 : memref<128x16xf32, #tpu.memory_space<vmem>>) dst(%dma_wait3A_173 : memref<10120x16xf32, #tpu.memory_space<vmem_shared>>)
      %dma_wait3A_176 = arith.constant 7 : i32
      %dma_wait3A_177 = arith.constant 0 : i32
      %dma_wait3A_178 = arith.constant 7 : i32
      %dma_wait3A_179 = arith.constant 0 : i32
      %dma_wait3A_180 = arith.constant 0 : i32
      %dma_wait3A_181 = tpu.memref_slice %arg11[%dma_wait3A_176, %dma_wait3A_179, %dma_wait3A_180] : memref<8x128x16xf32, #tpu.memory_space<vmem>> -> memref<1x128x16xf32, #tpu.memory_space<vmem>>
      %dma_wait3A_182 = tpu.memref_squeeze %dma_wait3A_181 : memref<1x128x16xf32, #tpu.memory_space<vmem>> -> memref<128x16xf32, #tpu.memory_space<vmem>>
      %dma_wait3A_183 = arith.constant 0 : i32
      %dma_wait3A_184 = tpu.memref_slice %arg10[%dma_wait3A_177, %dma_wait3A_183] : memref<160x128xi32, #tpu.memory_space<vmem>> -> memref<1x128xi32, #tpu.memory_space<vmem>>
      %dma_wait3A_185 = tpu.memref_squeeze %dma_wait3A_184 : memref<1x128xi32, #tpu.memory_space<vmem>> -> memref<128xi32, #tpu.memory_space<vmem>>
      %dma_wait3A_186 = arith.constant 0 : i32
      %dma_wait3A_187 = arith.constant 0 : i32
      %dma_wait3A_188 = tpu.memref_slice %arg8[%dma_wait3A_186, %dma_wait3A_187] : memref<10120x16xf32, #tpu.memory_space<vmem_shared>> -> memref<10120x16xf32, #tpu.memory_space<vmem_shared>>
      %dma_wait3A_189 = tpu.memref_slice %arg20[%dma_wait3A_178] : memref<8x!tpu.dma_semaphore, #tpu.memory_space<semaphore_mem>> -> memref<1x!tpu.dma_semaphore, #tpu.memory_space<semaphore_mem>>
      %dma_wait3A_190 = tpu.memref_squeeze %dma_wait3A_189 : memref<1x!tpu.dma_semaphore, #tpu.memory_space<semaphore_mem>> -> memref<!tpu.dma_semaphore, #tpu.memory_space<semaphore_mem>>
      tpu.wait_indirect_dma semaphore(%dma_wait3A_190 : memref<!tpu.dma_semaphore, #tpu.memory_space<semaphore_mem>>) src(%dma_wait3A_182 : memref<128x16xf32, #tpu.memory_space<vmem>>) dst(%dma_wait3A_188 : memref<10120x16xf32, #tpu.memory_space<vmem_shared>>)
      %barrier3A_191 = arith.constant 0 : index
      tpu.barrier barrier_id(%barrier3A_191)
      "tpu.region"() ({
        %run_scoped3A = tpu.sem_alloc : memref<!tpu.dma_semaphore, #tpu.memory_space<semaphore_mem>>
        %dma_start3A = arith.constant 0 : i32
        %dma_start3A_205 = tpu.memref_slice %arg8[%mul3A_0, %dma_start3A] : memref<10120x16xf32, #tpu.memory_space<vmem_shared>> -> memref<632x16xf32, #tpu.memory_space<vmem_shared>>
        %dma_start3A_206 = arith.constant 0 : i32
        %dma_start3A_207 = tpu.memref_slice %arg8[%mul3A_0, %dma_start3A_206] : memref<10120x16xf32, #tpu.memory_space<vmem_shared>> -> memref<632x16xf32, #tpu.memory_space<vmem_shared>>
        tpu.enqueue_dma source(%dma_start3A_207 : memref<632x16xf32, #tpu.memory_space<vmem_shared>>) target(%arg13 : memref<632x16xf32, #tpu.memory_space<vmem>>) target_semaphore(%run_scoped3A : memref<!tpu.dma_semaphore, #tpu.memory_space<semaphore_mem>>)
        %dma_wait3A_208 = arith.constant 0 : i32
        %dma_wait3A_209 = tpu.memref_slice %arg8[%mul3A_0, %dma_wait3A_208] : memref<10120x16xf32, #tpu.memory_space<vmem_shared>> -> memref<632x16xf32, #tpu.memory_space<vmem_shared>>
        %dma_wait3A_210 = arith.constant 0 : i32
        %dma_wait3A_211 = tpu.memref_slice %arg8[%mul3A_0, %dma_wait3A_210] : memref<10120x16xf32, #tpu.memory_space<vmem_shared>> -> memref<632x16xf32, #tpu.memory_space<vmem_shared>>
        tpu.wait_dma2 semaphore(%run_scoped3A : memref<!tpu.dma_semaphore, #tpu.memory_space<semaphore_mem>>) src(%dma_wait3A_211 : memref<632x16xf32, #tpu.memory_space<vmem_shared>>) dst(%arg13 : memref<632x16xf32, #tpu.memory_space<vmem>>)
        tpu.yield
      }) : () -> ()
      %get3A_192 = arith.index_cast %scan3A_62 : i32 to index
      %get3A_193 = arith.constant 0 : index
      %get3A_194 = tpu.vector_load %arg17[%get3A_192, %get3A_193] {strides = array<i32>} : memref<16x16xf32, #tpu.memory_space<vmem>>, vector<1x16xf32>,
      %get3A_195 = vector.shape_cast %get3A_194 : vector<1x16xf32> to vector<16xf32>
      %scan3A_196 = arith.constant 0 : i32
      %scan3A_197 = arith.constant 0 : i32
      %scan3A_198 = arith.constant 632 : i32
      %scan3A_199 = arith.addi %scan3A_197, %scan3A_198 : i32
      %scan3A_200 = arith.constant 1 : i32
      %scan3A_201 = scf.for %scan3A_205 = %scan3A_197 to %scan3A_199 step %scan3A_200 iter_args(%scan3A_206 = %scan3A_196) -> (i32)  : i32 {
        %get3A_207 = arith.index_cast %scan3A_205 : i32 to index
        %get3A_208 = arith.constant 0 : index
        %get3A_209 = tpu.vector_load %arg13[%get3A_207, %get3A_208] {strides = array<i32>} : memref<632x16xf32, #tpu.memory_space<vmem>>, vector<1x16xf32>,
        %get3A_210 = vector.shape_cast %get3A_209 : vector<1x16xf32> to vector<16xf32>
        %get3A_211 = arith.index_cast %scan3A_205 : i32 to index
        %get3A_212 = arith.constant 0 : index
        %get3A_213 = tpu.vector_load %arg14[%get3A_211, %get3A_212] {strides = array<i32>} : memref<632x16xf32, #tpu.memory_space<vmem>>, vector<1x16xf32>,
        %get3A_214 = vector.shape_cast %get3A_213 : vector<1x16xf32> to vector<16xf32>
        %add3A = arith.addf %get3A_210, %get3A_214 : vector<16xf32>
        %get3A_215 = arith.index_cast %scan3A_205 : i32 to index
        %get3A_216 = arith.constant 0 : index
        %get3A_217 = tpu.vector_load %arg16[%get3A_215, %get3A_216] {strides = array<i32>} : memref<632x16xf32, #tpu.memory_space<vmem>>, vector<1x16xf32>,
        %get3A_218 = vector.shape_cast %get3A_217 : vector<1x16xf32> to vector<16xf32>
        %mul3A_219 = arith.mulf %get3A_218, %add3A : vector<16xf32>
        %get3A_220 = arith.index_cast %scan3A_205 : i32 to index
        %get3A_221 = arith.constant 0 : index
        %get3A_222 = tpu.vector_load %arg15[%get3A_220, %get3A_221] {strides = array<i32>} : memref<632x16xf32, #tpu.memory_space<vmem>>, vector<1x16xf32>,
        %get3A_223 = vector.shape_cast %get3A_222 : vector<1x16xf32> to vector<16xf32>
        %mul3A_224 = arith.mulf %get3A_195, %mul3A_219 : vector<16xf32>
        %add3A_225 = arith.addf %get3A_223, %mul3A_224 : vector<16xf32>
        %swap3A = arith.index_cast %scan3A_205 : i32 to index
        %swap3A_226 = arith.constant 0 : index
        %swap3A_227 = tpu.vector_load %arg15[%swap3A, %swap3A_226] {strides = array<i32>} : memref<632x16xf32, #tpu.memory_space<vmem>>, vector<1x16xf32>,
        %swap3A_228 = vector.shape_cast %swap3A_227 : vector<1x16xf32> to vector<16xf32>
        %swap3A_229 = vector.shape_cast %add3A_225 : vector<16xf32> to vector<1x16xf32>
        tpu.vector_store %arg15[%swap3A, %swap3A_226], %swap3A_229 {strides = array<i32>} : memref<632x16xf32, #tpu.memory_space<vmem>>, vector<1x16xf32>,
        %mul3A_230 = arith.mulf %get3A_218, %mul3A_219 : vector<16xf32>
        %swap3A_231 = arith.index_cast %scan3A_205 : i32 to index
        %swap3A_232 = arith.constant 0 : index
        %swap3A_233 = tpu.vector_load %arg14[%swap3A_231, %swap3A_232] {strides = array<i32>} : memref<632x16xf32, #tpu.memory_space<vmem>>, vector<1x16xf32>,
        %swap3A_234 = vector.shape_cast %swap3A_233 : vector<1x16xf32> to vector<16xf32>
        %swap3A_235 = vector.shape_cast %mul3A_230 : vector<16xf32> to vector<1x16xf32>
        tpu.vector_store %arg14[%swap3A_231, %swap3A_232], %swap3A_235 {strides = array<i32>} : memref<632x16xf32, #tpu.memory_space<vmem>>, vector<1x16xf32>,
        %scan3A_236 = arith.constant 0 : i32
        scf.yield %scan3A_236 : i32
      }
      %scan3A_202 = arith.constant 632 : i32
      "tpu.region"() ({
        %run_scoped3A = tpu.sem_alloc : memref<!tpu.dma_semaphore, #tpu.memory_space<semaphore_mem>>
        %dma_start3A = arith.constant 0 : i32
        %dma_start3A_205 = tpu.memref_slice %arg7[%mul3A_0, %dma_start3A] : memref<10120x16xf32, #tpu.memory_space<vmem_shared>> -> memref<632x16xf32, #tpu.memory_space<vmem_shared>>
        %dma_start3A_206 = arith.constant 0 : i32
        %dma_start3A_207 = tpu.memref_slice %arg7[%mul3A_0, %dma_start3A_206] : memref<10120x16xf32, #tpu.memory_space<vmem_shared>> -> memref<632x16xf32, #tpu.memory_space<vmem_shared>>
        tpu.enqueue_dma source(%arg14 : memref<632x16xf32, #tpu.memory_space<vmem>>) target(%dma_start3A_207 : memref<632x16xf32, #tpu.memory_space<vmem_shared>>) target_semaphore(%run_scoped3A : memref<!tpu.dma_semaphore, #tpu.memory_space<semaphore_mem>>)
        %dma_wait3A_208 = arith.constant 0 : i32
        %dma_wait3A_209 = tpu.memref_slice %arg7[%mul3A_0, %dma_wait3A_208] : memref<10120x16xf32, #tpu.memory_space<vmem_shared>> -> memref<632x16xf32, #tpu.memory_space<vmem_shared>>
        %dma_wait3A_210 = arith.constant 0 : i32
        %dma_wait3A_211 = tpu.memref_slice %arg7[%mul3A_0, %dma_wait3A_210] : memref<10120x16xf32, #tpu.memory_space<vmem_shared>> -> memref<632x16xf32, #tpu.memory_space<vmem_shared>>
        tpu.wait_dma2 semaphore(%run_scoped3A : memref<!tpu.dma_semaphore, #tpu.memory_space<semaphore_mem>>) src(%arg14 : memref<632x16xf32, #tpu.memory_space<vmem>>) dst(%dma_wait3A_211 : memref<632x16xf32, #tpu.memory_space<vmem_shared>>)
        tpu.yield
      }) : () -> ()
      "tpu.region"() ({
        %run_scoped3A = tpu.sem_alloc : memref<!tpu.dma_semaphore, #tpu.memory_space<semaphore_mem>>
        %dma_start3A = arith.constant 0 : i32
        %dma_start3A_205 = arith.constant 0 : i32
        %dma_start3A_206 = tpu.memref_slice %arg18[%dma_start3A, %dma_start3A_205] : memref<640x16xf32, #tpu.memory_space<vmem>> -> memref<632x16xf32, #tpu.memory_space<vmem>>
        %dma_start3A_207 = arith.constant 0 : i32
        %dma_start3A_208 = tpu.memref_slice %arg8[%mul3A_0, %dma_start3A_207] : memref<10120x16xf32, #tpu.memory_space<vmem_shared>> -> memref<632x16xf32, #tpu.memory_space<vmem_shared>>
        %dma_start3A_209 = arith.constant 0 : i32
        %dma_start3A_210 = tpu.memref_slice %arg8[%mul3A_0, %dma_start3A_209] : memref<10120x16xf32, #tpu.memory_space<vmem_shared>> -> memref<632x16xf32, #tpu.memory_space<vmem_shared>>
        %dma_start3A_211 = arith.constant 0 : i32
        %dma_start3A_212 = arith.constant 0 : i32
        %dma_start3A_213 = tpu.memref_slice %arg18[%dma_start3A_211, %dma_start3A_212] : memref<640x16xf32, #tpu.memory_space<vmem>> -> memref<632x16xf32, #tpu.memory_space<vmem>>
        tpu.enqueue_dma source(%dma_start3A_213 : memref<632x16xf32, #tpu.memory_space<vmem>>) target(%dma_start3A_210 : memref<632x16xf32, #tpu.memory_space<vmem_shared>>) target_semaphore(%run_scoped3A : memref<!tpu.dma_semaphore, #tpu.memory_space<semaphore_mem>>)
        %dma_wait3A_214 = arith.constant 0 : i32
        %dma_wait3A_215 = arith.constant 0 : i32
        %dma_wait3A_216 = tpu.memref_slice %arg18[%dma_wait3A_214, %dma_wait3A_215] : memref<640x16xf32, #tpu.memory_space<vmem>> -> memref<632x16xf32, #tpu.memory_space<vmem>>
        %dma_wait3A_217 = arith.constant 0 : i32
        %dma_wait3A_218 = tpu.memref_slice %arg8[%mul3A_0, %dma_wait3A_217] : memref<10120x16xf32, #tpu.memory_space<vmem_shared>> -> memref<632x16xf32, #tpu.memory_space<vmem_shared>>
        %dma_wait3A_219 = arith.constant 0 : i32
        %dma_wait3A_220 = tpu.memref_slice %arg8[%mul3A_0, %dma_wait3A_219] : memref<10120x16xf32, #tpu.memory_space<vmem_shared>> -> memref<632x16xf32, #tpu.memory_space<vmem_shared>>
        %dma_wait3A_221 = arith.constant 0 : i32
        %dma_wait3A_222 = arith.constant 0 : i32
        %dma_wait3A_223 = tpu.memref_slice %arg18[%dma_wait3A_221, %dma_wait3A_222] : memref<640x16xf32, #tpu.memory_space<vmem>> -> memref<632x16xf32, #tpu.memory_space<vmem>>
        tpu.wait_dma2 semaphore(%run_scoped3A : memref<!tpu.dma_semaphore, #tpu.memory_space<semaphore_mem>>) src(%dma_wait3A_223 : memref<632x16xf32, #tpu.memory_space<vmem>>) dst(%dma_wait3A_220 : memref<632x16xf32, #tpu.memory_space<vmem_shared>>)
        tpu.yield
      }) : () -> ()
      %barrier3A_203 = arith.constant 0 : index
      tpu.barrier barrier_id(%barrier3A_203)
      %scan3A_204 = arith.constant 0 : i32
      scf.yield %scan3A_204 : i32
    }
    %scan3A_61 = arith.constant 10 : i32
    "tpu.region"() ({
      %run_scoped3A = tpu.sem_alloc : memref<!tpu.dma_semaphore, #tpu.memory_space<semaphore_mem>>
      %dma_start3A = arith.constant 0 : i32
      %dma_start3A_62 = tpu.memref_slice %arg6[%mul3A_0, %dma_start3A] : memref<10112x16xf32, #tpu.memory_space<hbm>> -> memref<632x16xf32, #tpu.memory_space<hbm>>
      %dma_start3A_63 = arith.constant 0 : i32
      %dma_start3A_64 = tpu.memref_slice %arg6[%mul3A_0, %dma_start3A_63] : memref<10112x16xf32, #tpu.memory_space<hbm>> -> memref<632x16xf32, #tpu.memory_space<hbm>>
      tpu.enqueue_dma source(%arg15 : memref<632x16xf32, #tpu.memory_space<vmem>>) target(%dma_start3A_64 : memref<632x16xf32, #tpu.memory_space<hbm>>) target_semaphore(%run_scoped3A : memref<!tpu.dma_semaphore, #tpu.memory_space<semaphore_mem>>)
      %dma_wait3A_65 = arith.constant 0 : i32
      %dma_wait3A_66 = tpu.memref_slice %arg6[%mul3A_0, %dma_wait3A_65] : memref<10112x16xf32, #tpu.memory_space<hbm>> -> memref<632x16xf32, #tpu.memory_space<hbm>>
      %dma_wait3A_67 = arith.constant 0 : i32
      %dma_wait3A_68 = tpu.memref_slice %arg6[%mul3A_0, %dma_wait3A_67] : memref<10112x16xf32, #tpu.memory_space<hbm>> -> memref<632x16xf32, #tpu.memory_space<hbm>>
      tpu.wait_dma2 semaphore(%run_scoped3A : memref<!tpu.dma_semaphore, #tpu.memory_space<semaphore_mem>>) src(%arg15 : memref<632x16xf32, #tpu.memory_space<vmem>>) dst(%dma_wait3A_68 : memref<632x16xf32, #tpu.memory_space<hbm>>)
      tpu.yield
    }) : () -> ()
    return
  }
}

module attributes {stable_mosaic.version = 14 : i64} {
  func.func @_mlp_body(%arg0: i32, %arg1: memref<1000x128xf32, #tpu.memory_space<vmem>>, %arg2: memref<128x256xf32, #tpu.memory_space<vmem>>, %arg3: memref<1x256xf32, #tpu.memory_space<vmem>>, %arg4: memref<256x16xf32, #tpu.memory_space<vmem>>, %arg5: memref<1x16xf32, #tpu.memory_space<vmem>>, %arg6: memref<1000x16xf32, #tpu.memory_space<vmem>>) attributes {dimension_semantics = [#tpu.dimension_semantics<arbitrary>], iteration_bounds = array<i64: 10>, scalar_prefetch = 0 : i64, scratch_operands = 0 : i64, tpu.core_type = #tpu.core_type<tc>, window_params = [{transform_indices = @transform_0, window_bounds = array<i64: 1000, 128>}, {pipeline_mode = #tpu.pipeline_mode<synchronous>, transform_indices = @transform_1, window_bounds = array<i64: 128, 256>}, {pipeline_mode = #tpu.pipeline_mode<synchronous>, transform_indices = @transform_2, window_bounds = array<i64: 1, 256>}, {pipeline_mode = #tpu.pipeline_mode<synchronous>, transform_indices = @transform_3, window_bounds = array<i64: 256, 16>}, {pipeline_mode = #tpu.pipeline_mode<synchronous>, transform_indices = @transform_4, window_bounds = array<i64: 1, 16>}, {transform_indices = @transform_5, window_bounds = array<i64: 1000, 16>}]} {
    %get3A = arith.constant 0 : index
    %get3A_0 = arith.constant 0 : index
    %get3A_1 = vector.load %arg1[%get3A, %get3A_0] : memref<1000x128xf32, #tpu.memory_space<vmem>>, vector<1000x128xf32>
    %get3A_2 = arith.constant 0 : index
    %get3A_3 = arith.constant 0 : index
    %get3A_4 = vector.load %arg2[%get3A_2, %get3A_3] : memref<128x256xf32, #tpu.memory_space<vmem>>, vector<128x256xf32>
    %dot_general3A = arith.constant dense<0.000000e+00> : vector<1000x256xf32>
    %dot_general3A_5 = tpu.matmul %get3A_1, %get3A_4, %dot_general3A {dimension_numbers = #tpu.dot_dimension_numbers<[1], [0], [0], [1], [0, 0, 1, 1], [], []>, transpose_lhs_hint = false} : vector<1000x128xf32>, vector<128x256xf32>, vector<1000x256xf32> -> vector<1000x256xf32>
    %get3A_6 = arith.constant 0 : index
    %get3A_7 = arith.constant 0 : index
    %get3A_8 = vector.load %arg3[%get3A_6, %get3A_7] : memref<1x256xf32, #tpu.memory_space<vmem>>, vector<1x256xf32>
    %add3A = vector.broadcast %get3A_8 : vector<1x256xf32> to vector<1000x256xf32>
    %add3A_9 = arith.addf %dot_general3A_5, %add3A : vector<1000x256xf32>
    %max3A = arith.constant 0.000000e+00 : f32
    %max3A_10 = vector.broadcast %max3A : f32 to vector<1000x256xf32>
    %max3A_11 = arith.maximumf %add3A_9, %max3A_10 : vector<1000x256xf32>
    %get3A_12 = arith.constant 0 : index
    %get3A_13 = arith.constant 0 : index
    %get3A_14 = vector.load %arg4[%get3A_12, %get3A_13] : memref<256x16xf32, #tpu.memory_space<vmem>>, vector<256x16xf32>
    %dot_general3A_15 = arith.constant dense<0.000000e+00> : vector<1000x16xf32>
    %dot_general3A_16 = tpu.matmul %max3A_11, %get3A_14, %dot_general3A_15 {dimension_numbers = #tpu.dot_dimension_numbers<[1], [0], [0], [1], [0, 0, 1, 1], [], []>, transpose_lhs_hint = false} : vector<1000x256xf32>, vector<256x16xf32>, vector<1000x16xf32> -> vector<1000x16xf32>
    %get3A_17 = arith.constant 0 : index
    %get3A_18 = arith.constant 0 : index
    %get3A_19 = vector.load %arg5[%get3A_17, %get3A_18] : memref<1x16xf32, #tpu.memory_space<vmem>>, vector<1x16xf32>
    %add3A_20 = vector.broadcast %get3A_19 : vector<1x16xf32> to vector<1000x16xf32>
    %add3A_21 = arith.addf %dot_general3A_16, %add3A_20 : vector<1000x16xf32>
    %swap3A = arith.constant 0 : index
    %swap3A_22 = arith.constant 0 : index
    %swap3A_23 = vector.load %arg6[%swap3A, %swap3A_22] : memref<1000x16xf32, #tpu.memory_space<vmem>>, vector<1000x16xf32>
    tpu.vector_store %arg6[%swap3A, %swap3A_22], %add3A_21 {strides = array<i32>} : memref<1000x16xf32, #tpu.memory_space<vmem>>, vector<1000x16xf32>,
    return
  }
  func.func @transform_0(%arg0: i32) -> (i32, i32) {
    %c0_i32 = arith.constant 0 : i32
    %c0_i32_0 = arith.constant 0 : i32
    return %arg0, %c0_i32 : i32, i32
  }
  func.func @transform_1(%arg0: i32) -> (i32, i32) {
    %c0_i32 = arith.constant 0 : i32
    %c0_i32_0 = arith.constant 0 : i32
    %c0_i32_1 = arith.constant 0 : i32
    return %c0_i32, %c0_i32_0 : i32, i32
  }
  func.func @transform_2(%arg0: i32) -> (i32, i32) {
    %c0_i32 = arith.constant 0 : i32
    %c0_i32_0 = arith.constant 0 : i32
    %c0_i32_1 = arith.constant 0 : i32
    return %c0_i32, %c0_i32_0 : i32, i32
  }
  func.func @transform_3(%arg0: i32) -> (i32, i32) {
    %c0_i32 = arith.constant 0 : i32
    %c0_i32_0 = arith.constant 0 : i32
    %c0_i32_1 = arith.constant 0 : i32
    return %c0_i32, %c0_i32_0 : i32, i32
  }
  func.func @transform_4(%arg0: i32) -> (i32, i32) {
    %c0_i32 = arith.constant 0 : i32
    %c0_i32_0 = arith.constant 0 : i32
    %c0_i32_1 = arith.constant 0 : i32
    return %c0_i32, %c0_i32_0 : i32, i32
  }
  func.func @transform_5(%arg0: i32) -> (i32, i32) {
    %c0_i32 = arith.constant 0 : i32
    %c0_i32_0 = arith.constant 0 : i32
    return %arg0, %c0_i32 : i32, i32
  }
}

module attributes {stable_mosaic.version = 14 : i64} {
  func.func @_lsm_body(%arg0: i32, %arg1: memref<1000x16xf32, #tpu.memory_space<vmem>>, %arg2: memref<1000x16xf32, #tpu.memory_space<vmem>>) attributes {dimension_semantics = [#tpu.dimension_semantics<arbitrary>], iteration_bounds = array<i64: 10>, scalar_prefetch = 0 : i64, scratch_operands = 0 : i64, tpu.core_type = #tpu.core_type<tc>, window_params = [{transform_indices = @transform_0, window_bounds = array<i64: 1000, 16>}, {transform_indices = @transform_1, window_bounds = array<i64: 1000, 16>}]} {
    %get3A = arith.constant 0 : index
    %get3A_0 = arith.constant 0 : index
    %get3A_1 = vector.load %arg1[%get3A, %get3A_0] : memref<1000x16xf32, #tpu.memory_space<vmem>>, vector<1000x16xf32>
    %reduce_max3A = arith.constant dense<0xFF800000> : vector<1000xf32>
    %reduce_max3A_2 = vector.multi_reduction <maximumf>, %get3A_1, %reduce_max3A [1] : vector<1000x16xf32> to vector<1000xf32>
    %broadcast_in_dim3A = vector.shape_cast %reduce_max3A_2 : vector<1000xf32> to vector<1000x1xf32>
    %sub3A = vector.broadcast %broadcast_in_dim3A : vector<1000x1xf32> to vector<1000x16xf32>
    %sub3A_3 = arith.subf %get3A_1, %sub3A : vector<1000x16xf32>
    %exp3A = math.exp %sub3A_3 : vector<1000x16xf32>
    %reduce_sum3A = arith.constant dense<0.000000e+00> : vector<1000xf32>
    %reduce_sum3A_4 = vector.multi_reduction <add>, %exp3A, %reduce_sum3A [1] : vector<1000x16xf32> to vector<1000xf32>
    %broadcast_in_dim3A_5 = vector.shape_cast %reduce_sum3A_4 : vector<1000xf32> to vector<1000x1xf32>
    %sub3A_6 = vector.broadcast %broadcast_in_dim3A : vector<1000x1xf32> to vector<1000x16xf32>
    %sub3A_7 = arith.subf %get3A_1, %sub3A_6 : vector<1000x16xf32>
    %log3A = math.log %broadcast_in_dim3A_5 : vector<1000x1xf32>
    %sub3A_8 = vector.broadcast %log3A : vector<1000x1xf32> to vector<1000x16xf32>
    %sub3A_9 = arith.subf %sub3A_7, %sub3A_8 : vector<1000x16xf32>
    %swap3A = arith.constant 0 : index
    %swap3A_10 = arith.constant 0 : index
    %swap3A_11 = vector.load %arg2[%swap3A, %swap3A_10] : memref<1000x16xf32, #tpu.memory_space<vmem>>, vector<1000x16xf32>
    tpu.vector_store %arg2[%swap3A, %swap3A_10], %sub3A_9 {strides = array<i32>} : memref<1000x16xf32, #tpu.memory_space<vmem>>, vector<1000x16xf32>,
    return
  }
  func.func @transform_0(%arg0: i32) -> (i32, i32) {
    %c0_i32 = arith.constant 0 : i32
    %c0_i32_0 = arith.constant 0 : i32
    return %arg0, %c0_i32 : i32, i32
  }
  func.func @transform_1(%arg0: i32) -> (i32, i32) {
    %c0_i32 = arith.constant 0 : i32
    %c0_i32_0 = arith.constant 0 : i32
    return %arg0, %c0_i32 : i32, i32
  }
}

</mosaic_0001>

<sc_bundles>
// kernel: kernel.5.cloned.1.call-start
scs
__scs_entry_jumppad:
0x0: {  	(pc) =	sbr.rel $0x88, $3  }
0x1: {  	(tag) =	ssettag $0x0;
	lr =	simm.s32 $0x1  }
0x2: {  	[smem:$0x3F9A] =	sst lr;
	_ =	strace $0xD0000000  }
0x3: {  	_ = 	snop  }
0x4: {  	_ = 	snop  }
0x5: {  	_ = 	snop  }
0x6: {  	_ = 	snop  }
0x7: {  	_ = 	snop  }
__scs_overlays_trampoline_lowered:
0x8: {  	[smem:$0x3FA9] =	sst s0  }
0x9: {  	[smem:$0x3FAA] =	sst s1  }
0xa: {  	[smem:$0x3FAB] =	sst s2  }
0xb: {  	[smem:$0x3FAC] =	sst s3  }
0xc: {  	[smem:$0x3FAD] =	sst s4  }
0xd: {  	[smem:$0x3FAE] =	sst s5  }
0xe: {  	[smem:$0x3FAF] =	sst s6  }
0xf: {  	[smem:$0x3FB0] =	sst s7  }
0x10: {  	[smem:$0x3FB1] =	sst s8  }
0x11: {  	[smem:$0x3FB2] =	sst s9;
	s0 =	simm.s32 @!p0 $0x0  }
0x12: {  	s1 =	sld [smem:$0x3F98];
	s0 =	simm.s32 @p0 $0x1  }
0x13: {  	[smem:$0x3FB3] =	sst s0;
	s0 =	simm.s32 @!p1 $0x0  }
0x14: {  	s2 =	sld [smem:$0x3F97];
	s0 =	simm.s32 @p1 $0x1  }
0x15: {  	[smem:$0x3FB4] =	sst s0;
	s0 =	simm.s32 @!p2 $0x0  }
0x16: {  	s3 =	sld [smem:$0x3FDB];
	s0 =	simm.s32 @p2 $0x1  }
0x17: {  	s4 =	simm.s32 $0x1BF5;
	[smem:$0x3FB6] =	sst s0  }
0x18: {  	s0 =	sld [smem:$0x3F99];
	_ =	swait.ge [sflag:s4], $0x0  }
0x19: {  	s7 =	sld [smem:$0x3F9A]  }
0x1a: {  	s8 =	sadd.s32 $0xFFFFE003, lr  }
0x1b: {  	s9 =	sadd.s32 $0xFFFFFEF7, lr;
	s5 =	simm.s32 $0xFFFFFFFF;
	p2 =	slt.u32 s8, $0xFFFFF086  }
0x1c: {  	p1 =	slt.u32 s9, $0xF7A;
	s5 =	simm.s32 @!p2 $0x0  }
0x1d: {  	s5 =	simm.s32 @p1 $0x1;
	p0 =	seq.s32 s7, s2  }
0x1e: {  	s7 =	smul.u32 @!p0 $0xF7A, s2;
	p2 =	seq.s32 @!p0 s5, $0x0  }
0x1f: {  	s9 =	smul.u32 $0xF7A, s1;
	s8 =	simm.s32 @!p0 $0x1BF5;
	p2 =	por !p2, p0  }
0x20: {  	[sflag:s8] =	ssyncset.s32 @!p0 $0xFFFFF086;
	s6 =	sadd.s32 @!p0 s3, s7;
	s7 =	simm.s32 @!p0 $0x108  }
0x21: {  	s3 =	sadd.s32 s3, s9;
	s6 =	sadd.s32 @!p0 $0x88, s6;
	s7 =	simm.s32 @p2 $0x1082  }
0x22: {  	[simem:s7], [sflag:s8] =	dma.local @!p0 [hbm:s6], $0xF7A  }
0x23: {  	s9 =	sor.u32 $0xD0000000, s2;
	s6 =	simm.s32 $0x108;
	_ =	swait.ge @!p0 [sflag:s8], $0x0  }
0x24: {  	s3 =	sadd.s32 $0x88, s3;
	s6 =	simm.s32 @!p1 $0x1082;
	[sflag:s4] =	ssyncset.s32 $0xFFFFF086  }
0x25: {  	[simem:s6], [sflag:s4] =	dma.local [hbm:s3], $0xF7A  }
0x26: {  	[smem:$0x3F9A] =	sst s1;
	(tag) =	ssettag s2;
	_ =	strace s9  }
0x27: {  	s1 =	sld [smem:$0x3FAA]  }
0x28: {  	s2 =	sld [smem:$0x3FAB]  }
0x29: {  	s4 =	sld [smem:$0x3FAD]  }
0x2a: {  	p0 =	seq.s32 s5, $0x0;
	s5 =	sld [smem:$0x3FAE]  }
0x2b: {  	s6 =	sld [smem:$0x3FAF]  }
0x2c: {  	s7 =	sld [smem:$0x3FB0]  }
0x2d: {  	s3 =	simm.s32 $0x108;
	s8 =	sld [smem:$0x3FB1]  }
0x2e: {  	s3 =	simm.s32 @!p0 $0x1082;
	s9 =	sld [smem:$0x3FB2]  }
0x2f: {  	lr =	sadd.s32 s0, s3;
	s0 =	sld [smem:$0x3FA9]  }
0x30: {  	s3 =	sld [smem:$0x3FAC]  }
0x31: {  	[smem:$0x3FB5] =	sst s10  }
0x32: {  	s10 =	sld [smem:$0x3FB3];
	_ =	sdelay $0x3  }
0x33: {  	p0 =	seq.s32 s10, $0x1;
	s10 =	sld [smem:$0x3FB5];
	_ =	sdelay $0x3  }
0x34: {  	[smem:$0x3FB5] =	sst s10  }
0x35: {  	s10 =	sld [smem:$0x3FB4];
	_ =	sdelay $0x3  }
0x36: {  	p1 =	seq.s32 s10, $0x1;
	s10 =	sld [smem:$0x3FB5];
	_ =	sdelay $0x3  }
0x37: {  	[smem:$0x3FB5] =	sst s10  }
0x38: {  	s10 =	sld [smem:$0x3FB6]  }
0x39: {  	_ = 	snop;
	(pc) =	sbr.ind lr, $3  }
0x3a: {  	_ = 	snop  }
0x3b: {  	_ = 	snop  }
0x3c: {  	p2 =	seq.s32 s10, $0x1;
	s10 =	sld [smem:$0x3FB5]  }
0x3d: {  	_ =	shalt  }
0x3e: {  	_ =	shalt  }
0x3f: {  	_ =	shalt  }
0x40: {  	_ =	shalt  }
0x41: {  	_ =	shalt  }
0x42: {  	_ =	shalt  }
0x43: {  	_ =	shalt  }
0x44: {  	_ =	shalt  }
0x45: {  	_ =	shalt  }
0x46: {  	_ =	shalt  }
0x47: {  	_ =	shalt  }
0x48: {  	_ =	shalt  }
0x49: {  	_ =	shalt  }
0x4a: {  	_ =	shalt  }
0x4b: {  	_ =	shalt  }
0x4c: {  	_ =	shalt  }
0x4d: {  	_ =	shalt  }
0x4e: {  	_ =	shalt  }
0x4f: {  	_ =	shalt  }
0x50: {  	_ =	shalt  }
0x51: {  	_ =	shalt  }
0x52: {  	_ =	shalt  }
0x53: {  	_ =	shalt  }
0x54: {  	_ =	shalt  }
0x55: {  	_ =	shalt  }
0x56: {  	_ =	shalt  }
0x57: {  	_ =	shalt  }
0x58: {  	_ =	shalt  }
0x59: {  	_ =	shalt  }
0x5a: {  	_ =	shalt  }
0x5b: {  	_ =	shalt  }
0x5c: {  	_ =	shalt  }
0x5d: {  	_ =	shalt  }
0x5e: {  	_ =	shalt  }
0x5f: {  	_ =	shalt  }
0x60: {  	_ =	shalt  }
0x61: {  	_ =	shalt  }
0x62: {  	_ =	shalt  }
0x63: {  	_ =	shalt  }
0x64: {  	_ =	shalt  }
0x65: {  	_ =	shalt  }
0x66: {  	_ =	shalt  }
0x67: {  	_ =	shalt  }
0x68: {  	_ =	shalt  }
0x69: {  	_ =	shalt  }
0x6a: {  	_ =	shalt  }
0x6b: {  	_ =	shalt  }
0x6c: {  	_ =	shalt  }
0x6d: {  	_ =	shalt  }
0x6e: {  	_ =	shalt  }
0x6f: {  	_ =	shalt  }
0x70: {  	_ =	shalt  }
0x71: {  	_ =	shalt  }
0x72: {  	_ =	shalt  }
0x73: {  	_ =	shalt  }
0x74: {  	_ =	shalt  }
0x75: {  	_ =	shalt  }
0x76: {  	_ =	shalt  }
0x77: {  	_ =	shalt  }
0x78: {  	_ =	shalt  }
0x79: {  	_ =	shalt  }
0x7a: {  	_ =	shalt  }
0x7b: {  	_ =	shalt  }
0x7c: {  	_ =	shalt  }
0x7d: {  	_ =	shalt  }
0x7e: {  	_ =	shalt  }
0x7f: {  	_ =	shalt  }
0x80: {  	_ =	shalt  }
0x81: {  	_ =	shalt  }
0x82: {  	_ =	shalt  }
0x83: {  	_ =	shalt  }
0x84: {  	_ =	shalt  }
0x85: {  	_ =	shalt  }
0x86: {  	_ =	shalt  }
0x87: {  	_ =	shalt  }
.Lfunc_end0:
.L_simem_size_0:
called_computation_lowered:
.L_overlay_start_0:
0x88: {  	s0 =	sld [smem:$0x3FD9]  }
0x89: {  	s1 =	sld [smem:$0x3FFE];
	_ =	sdelay $0x3  }
0x8a: {  	s0 =	sadd.s32 s1, s0  }
0x8b: {  	[smem:$0x3FC1] =	sst s0  }
0x8c: {  	_ = 	snop  }
0x8d: {  	s0 =	sld [smem:$0x3FD0];
	(tm) =	ssettm $0x1  }
0x8e: {  	s16 =	sld [smem:$0x3FFB];
	_ =	sdelay $0x3  }
0x8f: {  	_ =	strace s16  }
0x90: {  	s1 =	sld [smem:$0x3FFC];
	_ =	sdelay $0x3  }
0x91: {  	_ =	strace s1  }
0x92: {  	s1 =	sld [smem:$0x3FFD];
	_ =	sdelay $0x3  }
0x93: {  	_ =	strace s1  }
0x94: {  	_ =	strace $0x8FFFFFFF  }
0x95: {  	s17 =	sld [smem:$0x3FDB];
	_ =	sdelay $0x1  }
0x96: {  	s2 =	simm.s32 $_scs_section_size  }
0x97: {  	s3 =	simm.s32 $_size__tile_overlayer_lowered;
	s4 =	simm.s32 $_tile_overlayer_lowered  }
0x98: {  	s20 =	simm.s32 $0x1BFF;
	s19 =	sshll.u32 s4, $0x1;
	s1 =	sadd.s32 s2, s17  }
0x99: {  	s5 =	simm.s32 $0x0;
	s18 =	sshll.u32 s3, $0x1;
	s3 =	sadd.s32 s19, s1  }
0x9a: {  	[timem:s5], [sflag:s20] =	dma.local [hbm:s3], s18  }
0x9b: {  	_ =	swait.ge [sflag:s20], s18  }
0x9c: {  	s2 =	ssub.s32 $0x0, s18;
	[sflag:s20] =	ssyncset.done $0x0  }
0x9d: {  	[sflag:s20] =	ssyncadd.s32 s2;
	_ =	sdelay $0x1  }
0x9e: {  	s21 =	simm.s32 $0x1B8B  }
0x9f: {  	_ =	swait.ge [sflag:s21], $0x1  }
0xa0: {  	[sflag:s21] =	ssyncset.done $0x0  }
0xa1: {  	s23 =	simm.s32 $0x1B8E;
	s22 =	sld [smem:$0x3FFE];
	[sflag:s21] =	ssyncadd.s32 $0xFFFFFFFF  }
0xa2: {  	s24 =	simm.s32 $execute0_lowered;
	[smem:$0x3FD2] =	sst s23  }
0xa3: {  	s3 =	sshll.u32 s24, $0x1;
	_ =	strace $0x80000046;
	[dreg:$0x1] =	wrdreg $0xFFFFFFFF  }
0xa4: {  	s25 =	simm.s32 $_size_execute0_lowered;
	s1 =	sadd.s32 s1, s3;
	[dreg:$0x0] =	wrdreg $0x0  }
0xa5: {  	s3 =	sshll.u32 s25, $0x1;
	[dreg:$0x2] =	wrdreg s1  }
0xa6: {  	[dreg:$0x3] =	wrdreg s3  }
0xa7: {  	[dreg:$0x4] =	wrdreg $0xC0  }
0xa8: {  	_ =	task [dreg:s5], $0x5FFFF  }
0xa9: {  	[dreg:$0x1] =	wrdreg $0xFFFFFFFF  }
0xaa: {  	[dreg:$0x0] =	wrdreg $0x60  }
0xab: {  	[dreg:$0x2] =	wrdreg s0  }
0xac: {  	[dreg:$0x3] =	wrdreg s22  }
0xad: {  	[dreg:$0x4] =	wrdreg $0x27880  }
0xae: {  	[dreg:$0x5] =	wrdreg $0x0  }
0xaf: {  	[dreg:$0x6] =	wrdreg $0x9  }
0xb0: {  	_ =	task.clear_ibuf [dreg:s5], $0x7FFFF;
	_ =	strace $0x90000046  }
0xb1: {  	s26 =	simm.s32 $0x9;
	_ =	strace $0x80000048  }
0xb2: {  	_ =	swait.ge [sflag:s26], $0x1  }
0xb3: {  	[sflag:s26] =	ssyncadd.s32 $0xFFFFFFFF  }
0xb4: {  	_ =	strace $0x90000048  }
0xb5: {  	_ =	sfence  }
0xb6: {  	s28 =	sld [smem:$0x0];
	_ =	sdelay $0x1  }
0xb7: {  	s29 =	srdreg.scid  }
0xb8: {  	s30 =	sshll.u32 s29, $0xD;
	s31 =	sshrl.u32 s29, $0x2  }
0xb9: {  	s2 =	sand.u32 $0x4000, s30;
	s1 =	sand.u32 $0x1, s29;
	s0 =	sadd.s32 s31, s28  }
0xba: {  	s1 =	sor.u32 s2, s1;
	s0 =	sshll.u32 s0, $0x11  }
0xbb: {  	s0 =	sor.u32 s0, s1  }
0xbc: {  	s0 =	sadd.s32 $0x8F2B, s0  }
0xbd: {  	[sflag:s0] =	ssyncadd.remote.s32 $0x1  }
0xbe: {  	_ =	sfence.sel $0xFFFF  }
0xbf: {  	[dreg:$0x0] =	wrdreg $0xFFFFFFFF;
	(pc) =	sbr.abs _section_cstart, $3  }
0xc0: {  	[dreg:$0x1] =	wrdreg $0xFFFFFFFF  }
0xc1: {  	_ =	task.clear_ibuf [dreg:s5], $0x2FFFF;
	_ =	strace $0x9FFFFFFF  }
0xc2: {  	(tm) =	ssettm $0x7FFFFFFF  }
0xc3: {  	_ =	shalt  }
tec
execute0_lowered:
.L_overlay_start_1:
0x0: {  	(tag) =	ssettag $0x1  }
0x1: {  	s5 =	rddreg [dreg:$0x0]  }
0x2: {  	s6 =	rddreg [dreg:$0x1]  }
0x3: {  	s2 =	rddreg [dreg:$0x2];
	s0 =	stileid.u32  }
0x4: {  	s3 =	rddreg [dreg:$0x3];
	s7 =	smul.u32 $0xA00, s0  }
0x5: {  	s1 =	rddreg [dreg:$0x4];
	s4 =	simm.s32 $0x0  }
0x6: {  	s9 =	simm.s32 $0x4F10;
	[smem:$0x7FF] =	sst s4;
	s7 =	sadd.s32 s7, s6  }
0x7: {  	s28 =	simm.s32 $0x11;
	_ =	strace $0x80000047;
	s8 =	sadd.s32 $0x800, s7  }
0x8: {  	[tilespmem:s9], [sflag:$0x11] =	stream.linear.gather [hbm4b:s8+s4], $0x5000, $0x38;
	[tilespmem:$0x1FE10] =	vst v63  }
0x9: {  	_ =	swait.ge [sflag:s28], $0x5000  }
0xa: {  	[sflag:s28] =	ssyncset.done $0x0  }
0xb: {  	s29 =	simm.s32 $0x9F10;
	s7 =	sadd.s32 $0xA800, s7;
	[sflag:s28] =	ssyncadd.s32 $0xFFFFB000  }
0xc: {  	[tilespmem:s29], [sflag:$0x11] =	stream.linear.gather [hbm4b:s7+s4], $0x5000, $0x38;
	[tilespmem:$0x1FE10] =	vst v63  }
0xd: {  	_ =	swait.ge [sflag:s28], $0x5000  }
0xe: {  	[sflag:s28] =	ssyncset.done $0x0  }
0xf: {  	s31 =	simm.s32 $0x1D510;
	s30 =	sadd.s32 $0x14800, s6;
	[sflag:s28] =	ssyncadd.s32 $0xFFFFB000  }
0x10: {  	[tilespmem:s31], [sflag:$0x11] =	stream.linear.gather [hbm4b:s30+s4], $0x100, $0x38;
	[tilespmem:$0x1FE10] =	vst v63  }
0x11: {  	_ =	swait.ge [sflag:s28], $0x100  }
0x12: {  	[sflag:s28] =	ssyncset.done $0x0  }
0x13: {  	v0 =	vimm.f32 $0.0e+00;
	s7 =	sadd.s32 $0x14A00, s6;
	[sflag:s28] =	ssyncadd.s32 $0xFFFFFF00  }
.LBB2_1:
0x14: {  	p0 =	sne.s32 s4, $0x9FC0  }
.Ltmp0:
0x15: {  	_ = 	snop;
	(pc) =	sbr.rel @p0 .LBB2_1-.Ltmp0, $3  }
0x16: {  	_ =	sdelay $0x1  }
0x17: {  	s6 =	sshra.s32 s4, $0x2  }
0x18: {  	s4 =	sadd.s32 $0x40, s4;
	[tilespmem:s6+$0x1D610] =	vst v0  }
0x19: {  	v0 =	vimm.f32 $1.000000000e+00;
	s4 =	simm.s32 $0x40;
	s6 =	simm.s32 $0x0  }
.LBB2_3:
0x1a: {  	p0 =	sne.s32 s4, $0x1FC0;
	[tilespmem:s6+$0x12F10] =	vst v0;
	s6 =	smov.u32 s4;
	s4 =	sadd.s32 $0x40, s4  }
.Ltmp1:
0x1b: {  	(pc) =	sbr.rel @p0 .LBB2_3-.Ltmp1, $2  }
0x1c: {  	_ =	sdelay $0x2  }
0x1d: {  	s6 =	sshra.s32 s6, $0x2  }
0x1e: {  	s12 =	smul.u32 $0x2780, s0;
	_ =	sdelay $0x1  }
0x1f: {  	[tilespmem:s6+$0x12F10] =	vst v0;
	s25 =	simm.s32 $0x1D610;
	s26 =	simm.s32 $0x11;
	s4 =	sadd.s32 s12, s2  }
0x20: {  	[spmem:s4] =	stream.linear.scatter [tilespmem:s25], [sflag:$0x11], $0x2780, $0x38;
	[tilespmem:$0x1FE10] =	vst v63  }
0x21: {  	_ =	swait.ge [sflag:s26], $0x2780  }
0x22: {  	p0 =	sne.s32 s0, $0xF;
	[sflag:s26] =	ssyncset.done $0x0  }
0x23: {  	s6 =	sadd.s32 @!p0 $0x27800, s2;
	s8 =	simm.s32 @!p0 $0x1D610;
	[sflag:s26] =	ssyncadd.s32 $0xFFFFD880  }
0x24: {  	[spmem:s6] =	stream.linear.scatter @!p0 [tilespmem:s8], [sflag:$0x11], $0x80, $0x38;
	[tilespmem:$0x1FE10] =	vst v63  }
0x25: {  	s6 =	simm.s32 @!p0 $0x11  }
0x26: {  	_ =	swait.ge @!p0 [sflag:s6], $0x80  }
0x27: {  	[sflag:s6] =	ssyncset.done @!p0 $0x0  }
0x28: {  	s9 =	sadd.s32 @!p0 $0x27800, s3;
	[sflag:s6] =	ssyncadd.s32 @!p0 $0xFFFFFF80  }
0x29: {  	[spmem:s9] =	stream.linear.scatter @!p0 [tilespmem:s8], [sflag:$0x11], $0x80, $0x38;
	[tilespmem:$0x1FE10] =	vst v63  }
0x2a: {  	_ =	swait.ge @!p0 [sflag:s6], $0x80  }
0x2b: {  	s28 =	simm.s32 $0x9F10;
	[sflag:s6] =	ssyncset.done @!p0 $0x0  }
0x2c: {  	s10 =	simm.s32 $0x12F10;
	s30 =	simm.s32 $0x2;
	[sflag:s6] =	ssyncadd.s32 @!p0 $0xFFFFFF80  }
0x2d: {  	s9 =	simm.s32 $0x80;
	s6 =	sand.u32 $0x1, s30;
	[bflag:$0x0] =	sbarrier.arrive $0xFFFF  }
0x2e: {  	[spmem:s2] =	stream.indirect.scatter.add.f32 [tilespmem:s10], [sflag:$0x9], $0x10, s28, s9, $0xb8;
	[tilespmem:$0x1FE10] =	vst v63  }
0x2f: {  	s29 =	simm.s32 $0x9F90;
	s6 =	sadd.s32 $0x9, s6  }
0x30: {  	[spmem:s2] =	stream.indirect.scatter.add.f32 [tilespmem:s10], [sflag:$0xA], $0x10, s29, s9, $0xb8;
	[tilespmem:$0x1FE10] =	vst v63  }
0x31: {  	_ =	swait.ge [sflag:s6], $0x800  }
0x32: {  	s11 =	simm.s32 $0xA010;
	s31 =	simm.s32 $0x3;
	[sflag:s6] =	ssyncset.done $0x0  }
0x33: {  	s14 =	sand.u32 $0x1, s31;
	s13 =	sshrl.u32 s12, $0x3;
	[sflag:s6] =	ssyncadd.s32 $0xFFFFF800  }
0x34: {  	[spmem:s2] =	stream.indirect.scatter.add.f32 [tilespmem:s10], [sflag:s6], $0x10, s11, s9, $0xb8;
	[tilespmem:$0x1FE10] =	vst v63  }
0x35: {  	s8 =	sadd.s32 s5, s13;
	s6 =	sadd.s32 s12, s3;
	s12 =	sadd.s32 $0x9, s14  }
0x36: {  	s5 =	sadd.s32 s7, s13;
	s7 =	simm.s32 $0x4;
	_ =	swait.ge [sflag:s12], $0x800  }
.LBB2_5:
0x37: {  	s13 =	sand.u32 $0x1, s7  }
0x38: {  	[sflag:s12] =	ssyncset.done $0x0;
	s11 =	sadd.s32 $0x80, s11;
	p0 =	sne.s32 s7, $0x9F  }
.Ltmp2:
0x39: {  	s13 =	sadd.s32 $0x9, s13;
	[sflag:s12] =	ssyncadd.s32 $0xFFFFF800;
	(pc) =	sbr.rel @p0 .LBB2_5-.Ltmp2, $3  }
0x3a: {  	[spmem:s2] =	stream.indirect.scatter.add.f32 [tilespmem:s10], [sflag:s12], $0x10, s11, s9, $0xb8;
	[tilespmem:$0x1FE10] =	vst v63  }
0x3b: {  	s12 =	smov.u32 s13;
	_ =	swait.ge [sflag:s13], $0x800;
	_ =	sdelay $0x1  }
0x3c: {  	s7 =	sadd.s32 $0x1, s7  }
0x3d: {  	[sflag:s12] =	ssyncset.done $0x0  }
0x3e: {  	s7 =	sadd.s32 $0x80, s11;
	s25 =	simm.s32 $0x9;
	[sflag:s12] =	ssyncadd.s32 $0xFFFFF800  }
0x3f: {  	[spmem:s2] =	stream.indirect.scatter.add.f32 [tilespmem:s10], [sflag:s12], $0x10, s7, s9, $0xb8;
	[tilespmem:$0x1FE10] =	vst v63  }
0x40: {  	_ =	swait.ge [sflag:s25], $0x800  }
0x41: {  	[sflag:s25] =	ssyncset.done $0x0  }
0x42: {  	s26 =	simm.s32 $0xA;
	[sflag:s25] =	ssyncadd.s32 $0xFFFFF800  }
0x43: {  	_ =	swait.ge [sflag:s26], $0x800  }
0x44: {  	[sflag:s26] =	ssyncset.done $0x0  }
0x45: {  	[sflag:s26] =	ssyncadd.s32 $0xFFFFF800  }
0x46: {  	s28 =	simm.s32 $0x13710;
	s29 =	simm.s32 $0x11;
	[bflag:$0x0] =	sbarrier.arrive $0xFFFF  }
0x47: {  	[tilespmem:s28], [sflag:$0x11] =	stream.linear.gather [spmem:s4], $0x2780, $0x38;
	[tilespmem:$0x1FE10] =	vst v63  }
0x48: {  	_ =	swait.ge [sflag:s29], $0x2780  }
0x49: {  	[sflag:s29] =	ssyncset.done $0x0  }
0x4a: {  	s30 =	simm.s32 $0x0;
	s31 =	simm.s32 $0x15E90;
	[sflag:s29] =	ssyncadd.s32 $0xFFFFD880  }
0x4b: {  	[tilespmem:s31], [sflag:$0x11] =	stream.linear.gather [hbm4b:s8+s30], $0x2780, $0x38;
	[tilespmem:$0x1FE10] =	vst v63  }
0x4c: {  	_ =	swait.ge [sflag:s29], $0x2780  }
0x4d: {  	[sflag:s29] =	ssyncset.done $0x0  }
0x4e: {  	s8 =	simm.s32 $0x0;
	[sflag:s29] =	ssyncadd.s32 $0xFFFFD880  }
0x4f: {  	v0 =	vld [tilespmem:s8+$0x13710];
	_ =	sdelay $0x4  }
0x50: {  	v1 =	vadd.f32 $1.000000000e+00, v0;
	_ =	sdelay $0x1  }
0x51: {  	v0 =	vimm.f32 $1.381067910e-03;
	vm0 =	vlt.f32 v1, $2.621440000e+05  }
0x52: {  	v2 =	vsel vm0, $0x3B3504F3, v0;
	vm0 =	vlt.f32 v1, $6.553600000e+04  }
0x53: {  	vm1 =	vlt.f32 v1, $1.638400000e+04;
	v2 =	vsel vm0, $0x3BB504F3, v2  }
0x54: {  	vm0 =	vlt.f32 v1, $4.096000000e+03;
	v2 =	vsel vm1, $0x3C3504F3, v2  }
0x55: {  	vm1 =	vlt.f32 v1, $1.024000000e+03;
	v2 =	vsel vm0, $0x3CB504F3, v2  }
0x56: {  	vm0 =	vlt.f32 v1, $2.560000000e+02;
	v2 =	vsel vm1, $0x3D3504F3, v2  }
0x57: {  	vm1 =	vlt.f32 v1, $6.400000000e+01;
	v2 =	vsel vm0, $0x3DB504F3, v2  }
0x58: {  	vm0 =	vlt.f32 v1, $1.600000000e+01;
	v2 =	vsel vm1, $0x3E3504F3, v2  }
0x59: {  	vm1 =	vlt.f32 v1, $4.000000000e+00;
	v2 =	vsel vm0, $0x3EB504F3, v2  }
0x5a: {  	s7 =	simm.s32 $0x10;
	v4 =	vmul.f32 $5.000000000e-01, v1;
	vm0 =	vlt.f32 v1, $1.000000000e+00;
	v2 =	vsel vm1, $0x3F3504F3, v2  }
0x5b: {  	v1 =	vld [tilespmem:s7+$0x13710];
	v2 =	vsel vm0, $0x3FB504F3, v2  }
0x5c: {  	v3 =	vmul.f32 v2, v4;
	_ =	sdelay $0x1  }
0x5d: {  	v3 =	vmul.f32 v3, v2;
	_ =	sdelay $0x1  }
0x5e: {  	v1 =	vadd.f32 $1.000000000e+00, v1;
	v3 =	vsub.f32 $1.500000000e+00, v3;
	_ =	sdelay $0x1  }
0x5f: {  	vm0 =	vlt.f32 v1, $2.621440000e+05;
	v2 =	vmul.f32 v3, v2  }
0x60: {  	v3 =	vsel vm0, $0x3B3504F3, v0;
	vm0 =	vlt.f32 v1, $6.553600000e+04  }
0x61: {  	vm1 =	vlt.f32 v1, $1.638400000e+04;
	v3 =	vsel vm0, $0x3BB504F3, v3;
	v5 =	vmul.f32 v2, v4  }
0x62: {  	vm0 =	vlt.f32 v1, $4.096000000e+03;
	v3 =	vsel vm1, $0x3C3504F3, v3  }
0x63: {  	vm1 =	vlt.f32 v1, $1.024000000e+03;
	v3 =	vsel vm0, $0x3CB504F3, v3;
	v5 =	vmul.f32 v5, v2  }
0x64: {  	vm0 =	vlt.f32 v1, $2.560000000e+02;
	v3 =	vsel vm1, $0x3D3504F3, v3  }
0x65: {  	vm1 =	vlt.f32 v1, $6.400000000e+01;
	v3 =	vsel vm0, $0x3DB504F3, v3;
	v5 =	vsub.f32 $1.500000000e+00, v5  }
0x66: {  	vm0 =	vlt.f32 v1, $1.600000000e+01;
	v3 =	vsel vm1, $0x3E3504F3, v3  }
0x67: {  	vm1 =	vlt.f32 v1, $4.000000000e+00;
	v3 =	vsel vm0, $0x3EB504F3, v3;
	v2 =	vmul.f32 v5, v2  }
0x68: {  	s9 =	simm.s32 $0x20;
	vm0 =	vlt.f32 v1, $1.000000000e+00;
	v1 =	vmul.f32 $5.000000000e-01, v1;
	v3 =	vsel vm1, $0x3F3504F3, v3  }
0x69: {  	v5 =	vld [tilespmem:s9+$0x13710];
	v3 =	vsel vm0, $0x3FB504F3, v3;
	v6 =	vmul.f32 v2, v4  }
0x6a: {  	v7 =	vmul.f32 v3, v1  }
0x6b: {  	v6 =	vmul.f32 v6, v2  }
0x6c: {  	v7 =	vmul.f32 v7, v3  }
0x6d: {  	v6 =	vsub.f32 $1.500000000e+00, v6  }
0x6e: {  	v5 =	vadd.f32 $1.000000000e+00, v5;
	v7 =	vsub.f32 $1.500000000e+00, v7  }
0x6f: {  	v2 =	vmul.f32 v6, v2  }
0x70: {  	vm0 =	vlt.f32 v5, $4.000000000e+00;
	v3 =	vmul.f32 v7, v3  }
0x71: {  	vm1 =	vlt.f32 v5, $2.621440000e+05;
	vm2 =	vlt.f32 v5, $1.638400000e+04;
	v7 =	vmul.f32 v2, v4  }
0x72: {  	v6 =	vsel vm1, $0x3B3504F3, v0;
	vm1 =	vlt.f32 v5, $6.553600000e+04;
	v8 =	vmul.f32 v3, v1  }
0x73: {  	v6 =	vsel vm1, $0x3BB504F3, v6;
	vm1 =	vlt.f32 v5, $4.096000000e+03;
	v7 =	vmul.f32 v7, v2  }
0x74: {  	v6 =	vsel vm2, $0x3C3504F3, v6;
	vm2 =	vlt.f32 v5, $1.024000000e+03;
	v8 =	vmul.f32 v8, v3  }
0x75: {  	v6 =	vsel vm1, $0x3CB504F3, v6;
	vm1 =	vlt.f32 v5, $2.560000000e+02;
	v7 =	vsub.f32 $1.500000000e+00, v7  }
0x76: {  	v6 =	vsel vm2, $0x3D3504F3, v6;
	vm2 =	vlt.f32 v5, $6.400000000e+01;
	v8 =	vsub.f32 $1.500000000e+00, v8  }
0x77: {  	s10 =	simm.s32 $0x30;
	v6 =	vsel vm1, $0x3DB504F3, v6;
	vm1 =	vlt.f32 v5, $1.600000000e+01;
	v2 =	vmul.f32 v7, v2  }
0x78: {  	v9 =	vld [tilespmem:s10+$0x13710];
	v6 =	vsel vm2, $0x3E3504F3, v6;
	vm2 =	vlt.f32 v5, $1.000000000e+00;
	v7 =	vmul.f32 v8, v3  }
0x79: {  	v6 =	vsel vm1, $0x3EB504F3, v6;
	v3 =	vmul.f32 $5.000000000e-01, v5;
	v5 =	vmul.f32 v2, v4  }
0x7a: {  	v6 =	vsel vm0, $0x3F3504F3, v6  }
0x7b: {  	v6 =	vsel vm2, $0x3FB504F3, v6;
	v8 =	vmul.f32 v7, v1;
	v5 =	vmul.f32 v5, v2  }
0x7c: {  	v10 =	vmul.f32 v6, v3  }
0x7d: {  	v9 =	vadd.f32 $1.000000000e+00, v9;
	v8 =	vmul.f32 v8, v7;
	v5 =	vsub.f32 $1.500000000e+00, v5  }
0x7e: {  	v10 =	vmul.f32 v10, v6  }
0x7f: {  	vm3 =	vlt.f32 v9, $1.638400000e+04;
	v8 =	vsub.f32 $1.500000000e+00, v8;
	v2 =	vmul.f32 v5, v2  }
0x80: {  	vm4 =	vlt.f32 v9, $1.024000000e+03;
	vm5 =	vlt.f32 v9, $2.621440000e+05;
	v10 =	vsub.f32 $1.500000000e+00, v10  }
0x81: {  	vm15 =	vlt.f32 v9, $6.553600000e+04;
	v7 =	vmul.f32 v8, v7;
	v4 =	vmul.f32 v2, v4  }
0x82: {  	vm1 =	vlt.f32 v9, $4.000000000e+00;
	v8 =	vmul.f32 v10, v6;
	v5 =	vsel vm5, $0x3B3504F3, v0  }
0x83: {  	v5 =	vsel vm15, $0x3BB504F3, v5;
	v6 =	vmul.f32 v7, v1;
	v4 =	vmul.f32 v4, v2  }
0x84: {  	vm0 =	vlt.f32 v9, $1.000000000e+00;
	v10 =	vmul.f32 v8, v3;
	v11 =	vsel vm3, $0x3C3504F3, v5  }
0x85: {  	vm3 =	vlt.f32 v9, $4.096000000e+03;
	v5 =	vld [tilespmem:s8+$0x15E90];
	v6 =	vmul.f32 v6, v7;
	v4 =	vsub.f32 $1.500000000e+00, v4  }
0x86: {  	v11 =	vsel vm3, $0x3CB504F3, v11;
	vm3 =	vlt.f32 v9, $2.560000000e+02;
	v10 =	vmul.f32 v10, v8  }
0x87: {  	v11 =	vsel vm4, $0x3D3504F3, v11;
	v6 =	vsub.f32 $1.500000000e+00, v6;
	v4 =	vmul.f32 v4, v2;
	v2 =	vld [tilespmem:$0x1D510]  }
0x88: {  	s11 =	simm.s32 $0x40;
	vm2 =	vlt.f32 v9, $6.400000000e+01;
	v11 =	vsel vm3, $0x3DB504F3, v11;
	v12 =	vsub.f32 $1.500000000e+00, v10  }
0x89: {  	v11 =	vsel vm2, $0x3E3504F3, v11;
	vm2 =	vlt.f32 v9, $1.600000000e+01;
	v10 =	vld [tilespmem:s11+$0x13710];
	v6 =	vmul.f32 v6, v7  }
0x8a: {  	v11 =	vsel vm2, $0x3EB504F3, v11;
	v7 =	vmul.f32 v12, v8;
	v8 =	vmul.f32 v4, v5  }
0x8b: {  	s12 =	simm.s32 $0x140;
	v11 =	vsel vm1, $0x3F3504F3, v11;
	[tilespmem:s8+$0x1AD90] =	vst v4;
	v4 =	vmul.f32 $5.000000000e-01, v9;
	v9 =	vmul.f32 v6, v1  }
.LBB2_7:
0x8c: {  	p0 =	sne.s32 s12, $0x9DC0;
	v11 =	vsel vm0, $0x3FB504F3, v11;
	v12 =	vmul.f32 v7, v3;
	v5 =	vmul.f32 v5, v2;
	[tilespmem:s8+$0x15E90] =	vst v8  }
0x8d: {  	v8 =	vmul.f32 v11, v4;
	v9 =	vmul.f32 v9, v6  }
0x8e: {  	v13 =	vadd.f32 $1.000000000e+00, v10;
	v10 =	vmul.f32 v12, v7;
	[tilespmem:s8+$0x18610] =	vst v5;
	s8 =	smov.u32 s7;
	s7 =	smov.u32 s9;
	s9 =	smov.u32 s10  }
0x8f: {  	s10 =	smov.u32 s11;
	v5 =	vmul.f32 v8, v11;
	v8 =	vsub.f32 $1.500000000e+00, v9  }
0x90: {  	vm1 =	vlt.f32 v13, $4.000000000e+00;
	vm0 =	vlt.f32 v13, $1.000000000e+00;
	v9 =	vsub.f32 $1.500000000e+00, v10  }
0x91: {  	vm2 =	vlt.f32 v13, $6.400000000e+01;
	v5 =	vsub.f32 $1.500000000e+00, v5;
	v6 =	vmul.f32 v8, v6  }
0x92: {  	vm3 =	vlt.f32 v13, $1.638400000e+04;
	vm4 =	vlt.f32 v13, $1.024000000e+03;
	v7 =	vmul.f32 v9, v7  }
0x93: {  	vm5 =	vlt.f32 v13, $2.621440000e+05;
	v8 =	vmul.f32 v5, v11;
	v5 =	vmul.f32 v6, v1;
	v1 =	vmovc v3;
	v3 =	vmovc v4  }
0x94: {  	v4 =	vsel vm5, $0x3B3504F3, v0;
	vm5 =	vlt.f32 v13, $6.553600000e+04;
	v9 =	vmul.f32 v7, v1  }
0x95: {  	v4 =	vsel vm5, $0x3BB504F3, v4;
	v10 =	vmul.f32 v8, v3;
	v11 =	vmul.f32 v5, v6  }
0x96: {  	v4 =	vsel vm3, $0x3C3504F3, v4;
	vm3 =	vlt.f32 v13, $4.096000000e+03;
	v9 =	vmul.f32 v9, v7;
	v5 =	vld [tilespmem:s8+$0x15E90]  }
0x97: {  	v4 =	vsel vm3, $0x3CB504F3, v4;
	v10 =	vmul.f32 v10, v8;
	v11 =	vsub.f32 $1.500000000e+00, v11  }
.Ltmp3:
0x98: {  	vm3 =	vlt.f32 v13, $2.560000000e+02;
	v4 =	vsel vm4, $0x3D3504F3, v4;
	v9 =	vsub.f32 $1.500000000e+00, v9;
	(pc) =	sbr.rel @p0 .LBB2_7-.Ltmp3, $4  }
0x99: {  	s11 =	sshra.s32 s12, $0x2;
	v4 =	vsel vm3, $0x3DB504F3, v4;
	v12 =	vsub.f32 $1.500000000e+00, v10;
	v11 =	vmul.f32 v11, v6  }
0x9a: {  	v4 =	vsel vm2, $0x3E3504F3, v4;
	vm2 =	vlt.f32 v13, $1.600000000e+01;
	v10 =	vld [tilespmem:s11+$0x13710];
	v6 =	vmul.f32 v9, v7  }
0x9b: {  	v4 =	vsel vm2, $0x3EB504F3, v4;
	v7 =	vmul.f32 v12, v8;
	[tilespmem:s8+$0x1AD90] =	vst v11;
	v8 =	vmul.f32 v11, v5  }
0x9c: {  	s12 =	sadd.s32 $0x40, s12;
	v11 =	vsel vm1, $0x3F3504F3, v4;
	v4 =	vmul.f32 $5.000000000e-01, v13;
	v9 =	vmul.f32 v6, v1  }
0x9d: {  	_ =	sdelay $0x1  }
0x9e: {  	v10 =	vadd.f32 $1.000000000e+00, v10;
	_ =	sdelay $0x1  }
0x9f: {  	v11 =	vsel vm0, $0x3FB504F3, v11;
	vm1 =	vlt.f32 v10, $2.621440000e+05  }
0xa0: {  	v12 =	vmul.f32 v11, v4;
	vm7 =	vlt.f32 v10, $6.553600000e+04;
	v0 =	vsel vm1, $0x3B3504F3, v0  }
0xa1: {  	vm8 =	vlt.f32 v10, $1.638400000e+04;
	v0 =	vsel vm7, $0x3BB504F3, v0  }
0xa2: {  	v12 =	vmul.f32 v12, v11;
	vm9 =	vlt.f32 v10, $4.096000000e+03;
	v0 =	vsel vm8, $0x3C3504F3, v0  }
0xa3: {  	v13 =	vmul.f32 v7, v3;
	vm10 =	vlt.f32 v10, $1.024000000e+03;
	v0 =	vsel vm9, $0x3CB504F3, v0  }
0xa4: {  	vm11 =	vlt.f32 v10, $2.560000000e+02;
	v12 =	vsub.f32 $1.500000000e+00, v12;
	v0 =	vsel vm10, $0x3D3504F3, v0  }
0xa5: {  	v13 =	vmul.f32 v13, v7;
	vm12 =	vlt.f32 v10, $6.400000000e+01;
	v0 =	vsel vm11, $0x3DB504F3, v0  }
0xa6: {  	vm13 =	vlt.f32 v10, $1.600000000e+01;
	v11 =	vmul.f32 v12, v11;
	v0 =	vsel vm12, $0x3E3504F3, v0  }
0xa7: {  	vm14 =	vlt.f32 v10, $4.000000000e+00;
	vm15 =	vlt.f32 v10, $1.000000000e+00;
	v0 =	vsel vm13, $0x3EB504F3, v0  }
0xa8: {  	v10 =	vmul.f32 $5.000000000e-01, v10;
	v12 =	vmul.f32 v11, v4;
	v0 =	vsel vm14, $0x3F3504F3, v0  }
0xa9: {  	v13 =	vsub.f32 $1.500000000e+00, v13;
	v0 =	vsel vm15, $0x3FB504F3, v0  }
0xaa: {  	v12 =	vmul.f32 v12, v11;
	v14 =	vmul.f32 v0, v10  }
0xab: {  	v37 =	vmul.f32 v13, v7  }
0xac: {  	v12 =	vsub.f32 $1.500000000e+00, v12;
	v14 =	vmul.f32 v14, v0  }
0xad: {  	v9 =	vmul.f32 v9, v6;
	v39 =	vmul.f32 v37, v3  }
0xae: {  	v11 =	vmul.f32 v12, v11;
	v38 =	vsub.f32 $1.500000000e+00, v14  }
0xaf: {  	v9 =	vsub.f32 $1.500000000e+00, v9;
	v12 =	vmul.f32 v39, v37  }
0xb0: {  	v40 =	vmul.f32 v11, v4;
	v0 =	vmul.f32 v38, v0  }
0xb1: {  	v5 =	vmul.f32 v5, v2;
	v42 =	vmul.f32 v9, v6;
	v12 =	vsub.f32 $1.500000000e+00, v12  }
0xb2: {  	[tilespmem:s8+$0x15E90] =	vst v8;
	v43 =	vmul.f32 v40, v11;
	v41 =	vmul.f32 v0, v10  }
0xb3: {  	[tilespmem:s8+$0x18610] =	vst v5;
	v1 =	vmul.f32 v42, v1;
	v7 =	vmul.f32 v12, v37  }
0xb4: {  	v48 =	vld [tilespmem:s7+$0x15E90];
	v9 =	vsub.f32 $1.500000000e+00, v43;
	v44 =	vmul.f32 v41, v0  }
0xb5: {  	v1 =	vmul.f32 v1, v42;
	v47 =	vmul.f32 v7, v3  }
0xb6: {  	v46 =	vmul.f32 v9, v11;
	v45 =	vsub.f32 $1.500000000e+00, v44  }
0xb7: {  	v1 =	vsub.f32 $1.500000000e+00, v1;
	v5 =	vmul.f32 v47, v7  }
0xb8: {  	v11 =	vmul.f32 v46, v4;
	v0 =	vmul.f32 v45, v0  }
0xb9: {  	v51 =	vmul.f32 v48, v2;
	v1 =	vmul.f32 v1, v42;
	v5 =	vsub.f32 $1.500000000e+00, v5  }
0xba: {  	v11 =	vmul.f32 v11, v46;
	v12 =	vmul.f32 v0, v10  }
0xbb: {  	[tilespmem:s7+$0x18610] =	vst v51;
	v50 =	vmul.f32 v1, v48;
	v5 =	vmul.f32 v5, v7  }
0xbc: {  	[tilespmem:s7+$0x1AD90] =	vst v1;
	v11 =	vsub.f32 $1.500000000e+00, v11;
	v49 =	vmul.f32 v12, v0  }
0xbd: {  	[tilespmem:s7+$0x15E90] =	vst v50;
	v52 =	vmul.f32 v5, v3  }
0xbe: {  	v7 =	vld [tilespmem:s9+$0x15E90];
	v8 =	vmul.f32 v11, v46;
	v6 =	vsub.f32 $1.500000000e+00, v49  }
0xbf: {  	v1 =	vmul.f32 v52, v5  }
0xc0: {  	v53 =	vmul.f32 v8, v4;
	v0 =	vmul.f32 v6, v0;
	_ =	sdelay $0x1  }
0xc1: {  	v1 =	vsub.f32 $1.500000000e+00, v1;
	v3 =	vmul.f32 v53, v8;
	v6 =	vmul.f32 v0, v10  }
0xc2: {  	v56 =	vmul.f32 v7, v2  }
0xc3: {  	v1 =	vmul.f32 v1, v5;
	v3 =	vsub.f32 $1.500000000e+00, v3;
	v6 =	vmul.f32 v6, v0;
	_ =	sdelay $0x1  }
0xc4: {  	[tilespmem:s9+$0x18610] =	vst v56;
	v55 =	vmul.f32 v1, v7;
	v3 =	vmul.f32 v3, v8;
	v54 =	vsub.f32 $1.500000000e+00, v6  }
0xc5: {  	[tilespmem:s9+$0x1AD90] =	vst v1  }
0xc6: {  	[tilespmem:s9+$0x15E90] =	vst v55;
	v57 =	vmul.f32 v3, v4;
	v0 =	vmul.f32 v54, v0  }
0xc7: {  	v59 =	vld [tilespmem:s10+$0x15E90]  }
0xc8: {  	v58 =	vmul.f32 v57, v3;
	v5 =	vmul.f32 v0, v10;
	_ =	sdelay $0x1  }
0xc9: {  	v1 =	vsub.f32 $1.500000000e+00, v58;
	v5 =	vmul.f32 v5, v0;
	_ =	sdelay $0x1  }
0xca: {  	v60 =	vmul.f32 v59, v2;
	v1 =	vmul.f32 v1, v3;
	v5 =	vsub.f32 $1.500000000e+00, v5;
	_ =	sdelay $0x1  }
0xcb: {  	[tilespmem:s10+$0x18610] =	vst v60;
	v3 =	vmul.f32 v1, v59;
	v0 =	vmul.f32 v5, v0  }
0xcc: {  	[tilespmem:s10+$0x1AD90] =	vst v1  }
0xcd: {  	[tilespmem:s10+$0x15E90] =	vst v3;
	v61 =	vmul.f32 v0, v10  }
0xce: {  	v3 =	vld [tilespmem:s11+$0x15E90]  }
0xcf: {  	v62 =	vmul.f32 v61, v0;
	_ =	sdelay $0x1  }
0xd0: {  	v1 =	vsub.f32 $1.500000000e+00, v62;
	_ =	sdelay $0x1  }
0xd1: {  	v63 =	vmul.f32 v3, v2;
	v0 =	vmul.f32 v1, v0;
	_ =	sdelay $0x1  }
0xd2: {  	[tilespmem:s11+$0x18610] =	vst v63;
	v1 =	vmul.f32 v0, v3  }
0xd3: {  	[tilespmem:s11+$0x1AD90] =	vst v0  }
0xd4: {  	s8 =	simm.s32 $0x11;
	s7 =	simm.s32 $0x15E90;
	[tilespmem:s11+$0x15E90] =	vst v1  }
0xd5: {  	[spmem:s6] =	stream.linear.scatter [tilespmem:s7], [sflag:$0x11], $0x2780, $0x38;
	[tilespmem:$0x1FE10] =	vst v63  }
0xd6: {  	_ =	swait.ge [sflag:s8], $0x2780  }
0xd7: {  	s12 =	simm.s32 $0x9;
	s13 =	simm.s32 $0xA;
	[sflag:s8] =	ssyncset.done $0x0  }
0xd8: {  	s14 =	simm.s32 $0xB;
	s9 =	simm.s32 $0x1D610;
	[sflag:s8] =	ssyncadd.s32 $0xFFFFD880  }
0xd9: {  	[spmem:s4] =	stream.linear.scatter [tilespmem:s9], [sflag:$0x11], $0x2780, $0x38;
	[tilespmem:$0x1FE10] =	vst v63  }
0xda: {  	s15 =	simm.s32 $0xC;
	s16 =	simm.s32 $0xD;
	_ =	swait.ge [sflag:s8], $0x2780  }
0xdb: {  	s17 =	simm.s32 $0xE;
	s18 =	simm.s32 $0xF;
	[sflag:s8] =	ssyncset.done $0x0  }
0xdc: {  	s19 =	simm.s32 $0x10;
	s20 =	simm.s32 $0x13710;
	[sflag:s8] =	ssyncadd.s32 $0xFFFFD880  }
0xdd: {  	s10 =	simm.s32 $0x1;
	s11 =	simm.s32 $0x80;
	[bflag:$0x0] =	sbarrier.arrive $0xFFFF  }
.LBB2_9:
.Ltmp4:
0xde: {  	(pc) =	sbr.rel .LBB2_10-.Ltmp4, $3  }
0xdf: {  	_ =	sdelay $0x1  }
0xe0: {  	s21 =	simm.s32 $0x0  }
0xe1: {  	s22 =	simm.s32 $0xEF10;
	s23 =	simm.s32 $0x4F10;
	s24 =	simm.s32 $0x9D10  }
.LBB2_12:
0xe2: {  	s26 =	sadd.s32 $0x9, s25  }
0xe3: {  	_ =	swait.ge [sflag:s26], $0x800  }
0xe4: {  	s28 =	sshll.u32 s25, $0xB;
	[sflag:s26] =	ssyncset.done $0x0  }
0xe5: {  	s31 =	sadd.s32 $0x1, s25;
	s30 =	sadd.s32 $0xEF10, s28;
	[sflag:s26] =	ssyncadd.s32 $0xFFFFF800  }
0xe6: {  	[tilespmem:s30], [sflag:s31] =	stream.indirect.gather [spmem:s3], $0x10, s23, s11, $0xb8;
	[tilespmem:$0x1FE10] =	vst v63  }
.LBB2_14:
0xe7: {  	s25 =	sadd.s32 $0xFFFFFFFC, s21  }
0xe8: {  	s25 =	sand.u32 $0x7, s25  }
0xe9: {  	s26 =	sadd.s32 $0x1, s25  }
0xea: {  	_ =	swait.ge [sflag:s26], $0x800  }
0xeb: {  	s28 =	sshll.u32 s25, $0xB;
	[sflag:s26] =	ssyncset.done $0x0  }
0xec: {  	s25 =	sadd.s32 $0x9, s25;
	s28 =	sadd.s32 $0xEF10, s28;
	[sflag:s26] =	ssyncadd.s32 $0xFFFFF800  }
0xed: {  	[spmem:s2] =	stream.indirect.scatter.add.f32 [tilespmem:s28], [sflag:s25], $0x10, s24, s11, $0xb8;
	[tilespmem:$0x1FE10] =	vst v63  }
.LBB2_15:
0xee: {  	s21 =	sadd.s32 $0x1, s21  }
0xef: {  	p0 =	sne.s32 s21, $0xA4  }
.Ltmp5:
0xf0: {  	_ = 	snop;
	(pc) =	sbr.rel @!p0 .LBB2_16-.Ltmp5, $2  }
0xf1: {  	_ =	sdelay $0x2  }
0xf2: {  	s22 =	sadd.s32 $0x800, s22;
	s23 =	sadd.s32 $0x80, s23;
	s24 =	sadd.s32 $0x80, s24  }
.LBB2_10:
0xf3: {  	p0 =	sgt.u32 s21, $0x9F  }
.Ltmp6:
0xf4: {  	_ = 	snop;
	(pc) =	sbr.rel @p0 .LBB2_14-.Ltmp6, $1  }
0xf5: {  	_ =	sdelay $0x3  }
0xf6: {  	p0 =	slt.u32 s21, $0x8  }
.Ltmp7:
0xf7: {  	_ = 	snop;
	(pc) =	sbr.rel @!p0 .LBB2_12-.Ltmp7, $2  }
0xf8: {  	_ =	sdelay $0x2  }
0xf9: {  	s25 =	sand.u32 $0x7, s21  }
0xfa: {  	p0 =	slt.u32 s21, $0x4  }
.Ltmp8:
0xfb: {  	_ = 	snop;
	(pc) =	sbr.rel @p0 .LBB2_15-.Ltmp8, $4  }
.Ltmp9:
0xfc: {  	_ = 	snop;
	(pc) =	sbr.rel @!p0 .LBB2_14-.Ltmp9, $4  }
0xfd: {  	_ = 	snop  }
0xfe: {  	s25 =	sadd.s32 $0x1, s25  }
0xff: {  	[tilespmem:s22], [sflag:s25] =	stream.indirect.gather [spmem:s3], $0x10, s23, s11, $0xb8;
	[tilespmem:$0x1FE10] =	vst v63  }
0x100: {  	_ = 	snop  }
.LBB2_16:
0x101: {  	_ =	swait.ge [sflag:s12], $0x800  }
0x102: {  	[sflag:s12] =	ssyncset.done $0x0  }
0x103: {  	[sflag:s12] =	ssyncadd.s32 $0xFFFFF800  }
0x104: {  	_ =	swait.ge [sflag:s13], $0x800  }
0x105: {  	[sflag:s13] =	ssyncset.done $0x0  }
0x106: {  	[sflag:s13] =	ssyncadd.s32 $0xFFFFF800  }
0x107: {  	_ =	swait.ge [sflag:s14], $0x800  }
0x108: {  	[sflag:s14] =	ssyncset.done $0x0  }
0x109: {  	[sflag:s14] =	ssyncadd.s32 $0xFFFFF800  }
0x10a: {  	_ =	swait.ge [sflag:s15], $0x800  }
0x10b: {  	[sflag:s15] =	ssyncset.done $0x0  }
0x10c: {  	[sflag:s15] =	ssyncadd.s32 $0xFFFFF800  }
0x10d: {  	_ =	swait.ge [sflag:s16], $0x800  }
0x10e: {  	[sflag:s16] =	ssyncset.done $0x0  }
0x10f: {  	[sflag:s16] =	ssyncadd.s32 $0xFFFFF800  }
0x110: {  	_ =	swait.ge [sflag:s17], $0x800  }
0x111: {  	[sflag:s17] =	ssyncset.done $0x0  }
0x112: {  	[sflag:s17] =	ssyncadd.s32 $0xFFFFF800  }
0x113: {  	_ =	swait.ge [sflag:s18], $0x800  }
0x114: {  	[sflag:s18] =	ssyncset.done $0x0  }
0x115: {  	[sflag:s18] =	ssyncadd.s32 $0xFFFFF800  }
0x116: {  	_ =	swait.ge [sflag:s19], $0x800  }
0x117: {  	[sflag:s19] =	ssyncset.done $0x0  }
0x118: {  	[sflag:s19] =	ssyncadd.s32 $0xFFFFF800  }
0x119: {  	[bflag:$0x0] =	sbarrier.arrive $0xFFFF  }
0x11a: {  	[tilespmem:s20], [sflag:$0x11] =	stream.linear.gather [spmem:s4], $0x2780, $0x38;
	[tilespmem:$0x1FE10] =	vst v63  }
0x11b: {  	_ =	swait.ge [sflag:s8], $0x2780  }
0x11c: {  	[sflag:s8] =	ssyncset.done $0x0  }
0x11d: {  	s21 =	simm.s32 $0x0;
	[sflag:s8] =	ssyncadd.s32 $0xFFFFD880  }
0x11e: {  	v1 =	vld [tilespmem:s21+$0x13710]  }
0x11f: {  	v2 =	vld [tilespmem:s21+$0x15E90];
	_ =	sdelay $0x1  }
0x120: {  	v3 =	vld [tilespmem:s21+$0x1AD90]  }
0x121: {  	s22 =	sshll.u32 s10, $0x4  }
0x122: {  	s22 =	sand.u32 $0x3FFFFFF0, s22  }
0x123: {  	v0 =	vld [tilespmem:s22+$0x1D510];
	v1 =	vadd.f32 v2, v1;
	_ =	sdelay $0x1  }
0x124: {  	v4 =	vmul.f32 v1, v3;
	v1 =	vld [tilespmem:s21+$0x18610];
	_ =	sdelay $0x2  }
0x125: {  	s23 =	simm.s32 $0x80;
	s22 =	simm.s32 $0x40;
	v2 =	vmul.f32 v4, v0;
	v3 =	vmul.f32 v4, v3  }
.LBB2_17:
0x126: {  	p0 =	sne.s32 s23, $0x9DC0;
	s24 =	sshra.s32 s22, $0x2;
	s22 =	smov.u32 s23  }
0x127: {  	v4 =	vld [tilespmem:s24+$0x13710];
	v1 =	vadd.f32 v2, v1;
	[tilespmem:s21+$0x15E90] =	vst v3  }
0x128: {  	v2 =	vld [tilespmem:s24+$0x15E90]  }
0x129: {  	[tilespmem:s21+$0x18610] =	vst v1;
	s21 =	smov.u32 s24  }
0x12a: {  	v3 =	vld [tilespmem:s21+$0x1AD90];
	_ =	sdelay $0x2  }
.Ltmp10:
0x12b: {  	v2 =	vadd.f32 v2, v4;
	(pc) =	sbr.rel @p0 .LBB2_17-.Ltmp10, $3  }
0x12c: {  	v1 =	vld [tilespmem:s21+$0x18610]  }
0x12d: {  	v4 =	vmul.f32 v2, v3;
	_ =	sdelay $0x1  }
0x12e: {  	s23 =	sadd.s32 $0x40, s23;
	v2 =	vmul.f32 v4, v0;
	v3 =	vmul.f32 v4, v3  }
0x12f: {  	s22 =	sshra.s32 s22, $0x2  }
0x130: {  	v4 =	vld [tilespmem:s22+$0x13710];
	v1 =	vadd.f32 v2, v1;
	[tilespmem:s21+$0x15E90] =	vst v3  }
0x131: {  	v63 =	vld [tilespmem:s22+$0x15E90]  }
0x132: {  	[tilespmem:s21+$0x18610] =	vst v1  }
0x133: {  	v1 =	vld [tilespmem:s22+$0x1AD90];
	_ =	sdelay $0x2  }
0x134: {  	v2 =	vadd.f32 v63, v4  }
0x135: {  	v3 =	vld [tilespmem:s22+$0x18610]  }
0x136: {  	v2 =	vmul.f32 v2, v1;
	_ =	sdelay $0x1  }
0x137: {  	v0 =	vmul.f32 v2, v0  }
0x138: {  	v1 =	vmul.f32 v2, v1  }
0x139: {  	v0 =	vadd.f32 v0, v3  }
0x13a: {  	[tilespmem:s22+$0x15E90] =	vst v1  }
0x13b: {  	[tilespmem:s22+$0x18610] =	vst v0  }
0x13c: {  	[spmem:s6] =	stream.linear.scatter [tilespmem:s7], [sflag:$0x11], $0x2780, $0x38;
	[tilespmem:$0x1FE10] =	vst v63  }
0x13d: {  	_ =	swait.ge [sflag:s8], $0x2780  }
0x13e: {  	s10 =	sadd.s32 $0x1, s10;
	[sflag:s8] =	ssyncset.done $0x0  }
0x13f: {  	p0 =	sne.s32 s10, $0xB;
	[sflag:s8] =	ssyncadd.s32 $0xFFFFD880  }
0x140: {  	[spmem:s4] =	stream.linear.scatter [tilespmem:s9], [sflag:$0x11], $0x2780, $0x38;
	[tilespmem:$0x1FE10] =	vst v63  }
.Ltmp11:
0x141: {  	_ =	swait.ge [sflag:s8], $0x2780;
	(pc) =	sbr.rel @p0 .LBB2_9-.Ltmp11, $3  }
0x142: {  	[sflag:s8] =	ssyncset.done $0x0  }
0x143: {  	[sflag:s8] =	ssyncadd.s32 $0xFFFFD880  }
0x144: {  	[bflag:$0x0] =	sbarrier.arrive $0xFFFF;
	_ =	sdelay $0x1  }
0x145: {  	s2 =	simm.s32 $0x0;
	s3 =	simm.s32 $0x18610;
	s31 =	simm.s32 $0x11  }
0x146: {  	[hbm4b:s5+s2] =	stream.linear.scatter [tilespmem:s3], [sflag:$0x11], $0x2780, $0x38;
	[tilespmem:$0x1FE10] =	vst v63  }
0x147: {  	_ =	swait.ge [sflag:s31], $0x2780  }
0x148: {  	[sflag:s31] =	ssyncset.done $0x0  }
0x149: {  	[sflag:s31] =	ssyncadd.s32 $0xFFFFD880  }
0x14a: {  	_ =	sfence.sel $0x180000  }
0x14b: {  	[bflag:$0x0] =	sbarrier.arrive $0xFFFF  }
0x14c: {  	p0 =	sne.s32 s0, $0x0;
	_ =	strace $0x90000047  }
0x14d: {  	s0 =	sadd.s32 @!p0 $0x100000, s1;
	[bflag:$0x2] =	sbarrier.arrive $0xFFFF  }
0x14e: {  	[sflag:s0] =	ssyncadd.tile.s32 @!p0 $0x1;
	_ =	shalt  }
.Lfunc_end2:
_tile_overlayer_lowered:
.L_overlay_start_2:
0x14f: {  	(tag) =	ssettag $0x2  }
0x150: {  	s0 =	rddreg [dreg:$0x0];
	s2 =	stileid.u32  }
0x151: {  	s1 =	rddreg [dreg:$0x1];
	p0 =	sne.s32 s2, $0x0  }
0x152: {  	s3 =	rddreg [dreg:$0x2];
	[bflag:$0x3] =	sbarrier.arrive $0xFFFF;
	s2 =	simm.s32 @!p0 $0x1C11  }
0x153: {  	[timem:s3], [sflag:s2] =	dma.local @!p0 [hbm:s0], s1  }
0x154: {  	s0 =	simm.s32 @!p0 $0x11  }
0x155: {  	_ =	swait.ge @!p0 [sflag:s0], s1  }
0x156: {  	s1 =	ssub.s32 @!p0 $0x0, s1;
	[sflag:s0] =	ssyncset.done @!p0 $0x0  }
0x157: {  	[sflag:s0] =	ssyncadd.s32 @!p0 s1  }
0x158: {  	[bflag:$0x3] =	sbarrier.arrive $0xFFFF  }
0x159: {  	_ =	shalt  }

</sc_bundles>
